<compile_context>
chip_gen: v7x
topology: tpu7x:2x2x1
jax: 0.10.2.dev20260603
libtpu: 0.0.44.dev20260713+nightly
codegen_flags: <defaults>
</compile_context>

<pallas_src>
import functools

import jax
import jax.numpy as jnp
from jax import lax
from jax.experimental import pallas as pl
from jax.experimental.pallas import tpu as pltpu
from jax.experimental.pallas import tpu_sc as plsc

D_MODEL = 2048
BATCH = 16384

_info = plsc.get_sparse_core_info()
_NC, _NS = _info.num_cores, _info.num_subcores
_NW = _NC * _NS
_BPW = BATCH // _NW
_GRP = 4
_NGRP = _BPW // _GRP


@functools.partial(
    pl.kernel,
    mesh=plsc.VectorSubcoreMesh(core_axis_name="c", subcore_axis_name="s"),
    out_type=jax.ShapeDtypeStruct((BATCH, D_MODEL), jnp.float32),
    scratch_types=[
        pltpu.VMEM((_BPW,), jnp.int32),
        pltpu.VMEM((5, D_MODEL), jnp.float32),
        pltpu.SemaphoreType.DMA,
    ],
)
def _sc_embed(idx_hbm, table_hbm, out_hbm, idx_s, table_v, sem):
    wid = lax.axis_index("s") * _NC + lax.axis_index("c")
    base = wid * _BPW
    pltpu.sync_copy(table_hbm, table_v)
    pltpu.sync_copy(idx_hbm.at[pl.ds(base, _BPW)], idx_s)

    def issue_group(g):
        idx16 = idx_s[pl.ds(g * _GRP, _GRP)]
        for r in range(_GRP):
            s = idx16[r]
            pltpu.async_copy(
                table_v.at[pl.ds(s, 1)],
                out_hbm.at[pl.ds(base + g * _GRP + r, 1)],
                sem,
            )

    def drain_one_group():
        pltpu.make_async_copy(
            out_hbm.at[pl.ds(0, _GRP)], out_hbm.at[pl.ds(base, _GRP)], sem
        ).wait()

    issue_group(0)

    @pl.loop(1, _NGRP, unroll=1)
    def _(g):
        issue_group(g)
        drain_one_group()

    drain_one_group()


def kernel(scene_id, embedding_weight):
    if scene_id.ndim > 1:
        scene_id = jnp.squeeze(scene_id, axis=-1)
    idx = scene_id.astype(jnp.int32)
    return _sc_embed(idx, embedding_weight)

# --- scband reference (transcript-rebuilt; emitter-appended) ---
"""Pipeline reference for scband-scene-embedding-62414464746004 (READ-ONLY COPY).

The authoritative reference and input builder live on the scoring server;
editing this copy changes nothing except your own understanding.
"""

import jax, jax.numpy as jnp
import numpy as np

D_MODEL = 2048
NUM_SCENES = 5
BATCH = 16384
INIT_STD = 0.02

def setup_inputs(seed: int = 0) -> dict:
    key = jax.random.key(seed)
    k_idx, k_w = jax.random.split(key)
    scene_id = jax.random.randint(k_idx, (BATCH,), 0, NUM_SCENES, dtype=jnp.int64)
    embedding_weight = jax.random.normal(k_w, (NUM_SCENES, D_MODEL), dtype=jnp.float32) * INIT_STD
    return {"scene_id": scene_id, "embedding_weight": embedding_weight}

def reference(scene_id, embedding_weight):
    # forward: squeeze trailing dim if present, then embedding lookup (gather)
    if scene_id.ndim > 1:
        scene_id = jnp.squeeze(scene_id, axis=-1)
    out = jnp.take(embedding_weight, scene_id, axis=0)  # [batch, d_model]
    return out

if __name__ == "__main__":
    import jax
    _d = setup_inputs()
    print(jax.jit(kernel)(*tuple(_d.values())))

</pallas_src>

<mosaic_0001>
#map = affine_map<(d0, d1) -> (0)>
#map1 = affine_map<(d0, d1) -> (0, 0)>
module attributes {stable_mosaic.version = 14 : i64} {
  func.func @_sc_embed(%arg0: i32, %arg1: i32, %arg2: memref<16384xi32, #tpu.memory_space<hbm>>, %arg3: memref<5x2048xf32, #tpu.memory_space<hbm>>, %arg4: memref<16384x2048xf32, #tpu.memory_space<hbm>>, %arg5: memref<512xi32, #tpu.memory_space<vmem>>, %arg6: memref<5x2048xf32, #tpu.memory_space<vmem>>, %arg7: memref<!tpu.dma_semaphore, #tpu.memory_space<semaphore_mem>>) attributes {dimension_semantics = [#tpu.dimension_semantics<core_parallel>, #tpu.dimension_semantics<subcore_parallel>], iteration_bounds = array<i64: 2, 16>, scalar_prefetch = 0 : i64, scratch_operands = 3 : i64, tpu.core_type = #tpu.core_type<sc_vector_subcore>, window_params = [{transform_indices = #map}, {transform_indices = #map1}, {transform_indices = #map1}]} {
    %mul3A = arith.constant 2 : i32
    %mul3A_0 = arith.muli %arg1, %mul3A : i32
    %add3A = arith.addi %mul3A_0, %arg0 : i32
    %mul3A_1 = arith.constant 512 : i32
    %mul3A_2 = arith.muli %add3A, %mul3A_1 : i32
    "tpu.region"() ({
      %run_scoped3A = tpu.sem_alloc : memref<!tpu.dma_semaphore, #tpu.memory_space<semaphore_mem>>
      tpu.enqueue_dma source(%arg3 : memref<5x2048xf32, #tpu.memory_space<hbm>>) target(%arg6 : memref<5x2048xf32, #tpu.memory_space<vmem>>) target_semaphore(%run_scoped3A : memref<!tpu.dma_semaphore, #tpu.memory_space<semaphore_mem>>)
      tpu.wait_dma2 semaphore(%run_scoped3A : memref<!tpu.dma_semaphore, #tpu.memory_space<semaphore_mem>>) src(%arg3 : memref<5x2048xf32, #tpu.memory_space<hbm>>) dst(%arg6 : memref<5x2048xf32, #tpu.memory_space<vmem>>)
      tpu.yield
    }) : () -> ()
    "tpu.region"() ({
      %run_scoped3A = tpu.sem_alloc : memref<!tpu.dma_semaphore, #tpu.memory_space<semaphore_mem>>
      %dma_start3A_66 = tpu.memref_slice %arg2[%mul3A_2] : memref<16384xi32, #tpu.memory_space<hbm>> -> memref<512xi32, #tpu.memory_space<hbm>>
      %dma_start3A_67 = tpu.memref_slice %arg2[%mul3A_2] : memref<16384xi32, #tpu.memory_space<hbm>> -> memref<512xi32, #tpu.memory_space<hbm>>
      tpu.enqueue_dma source(%dma_start3A_67 : memref<512xi32, #tpu.memory_space<hbm>>) target(%arg5 : memref<512xi32, #tpu.memory_space<vmem>>) target_semaphore(%run_scoped3A : memref<!tpu.dma_semaphore, #tpu.memory_space<semaphore_mem>>)
      %dma_wait3A_68 = tpu.memref_slice %arg2[%mul3A_2] : memref<16384xi32, #tpu.memory_space<hbm>> -> memref<512xi32, #tpu.memory_space<hbm>>
      %dma_wait3A_69 = tpu.memref_slice %arg2[%mul3A_2] : memref<16384xi32, #tpu.memory_space<hbm>> -> memref<512xi32, #tpu.memory_space<hbm>>
      tpu.wait_dma2 semaphore(%run_scoped3A : memref<!tpu.dma_semaphore, #tpu.memory_space<semaphore_mem>>) src(%dma_wait3A_69 : memref<512xi32, #tpu.memory_space<hbm>>) dst(%arg5 : memref<512xi32, #tpu.memory_space<vmem>>)
      tpu.yield
    }) : () -> ()
    %get3A = arith.constant 0 : index
    %get3A_3 = tpu.vector_load %arg5[%get3A] {strides = array<i32>} : memref<512xi32, #tpu.memory_space<vmem>>, vector<4xi32>,
    %get3A_4 = vector.shape_cast %get3A_3 : vector<4xi32> to vector<4xi32>
    %slice3A = vector.extract_strided_slice %get3A_4 {offsets = [0], sizes = [1], strides = [1]} : vector<4xi32> to vector<1xi32>
    %squeeze3A = vector.extract %slice3A[0] : i32 from vector<1xi32>
    %add3A_5 = arith.constant 0 : i32
    %add3A_6 = arith.addi %mul3A_2, %add3A_5 : i32
    %add3A_7 = arith.constant 0 : i32
    %add3A_8 = arith.addi %add3A_6, %add3A_7 : i32
    %dma_start3A = arith.constant 0 : i32
    %dma_start3A_9 = tpu.memref_slice %arg6[%squeeze3A, %dma_start3A] : memref<5x2048xf32, #tpu.memory_space<vmem>> -> memref<1x2048xf32, #tpu.memory_space<vmem>>
    %dma_start3A_10 = arith.constant 0 : i32
    %dma_start3A_11 = tpu.memref_slice %arg4[%add3A_8, %dma_start3A_10] : memref<16384x2048xf32, #tpu.memory_space<hbm>> -> memref<1x2048xf32, #tpu.memory_space<hbm>>
    %dma_start3A_12 = arith.constant 0 : i32
    %dma_start3A_13 = tpu.memref_slice %arg4[%add3A_8, %dma_start3A_12] : memref<16384x2048xf32, #tpu.memory_space<hbm>> -> memref<1x2048xf32, #tpu.memory_space<hbm>>
    %dma_start3A_14 = arith.constant 0 : i32
    %dma_start3A_15 = tpu.memref_slice %arg6[%squeeze3A, %dma_start3A_14] : memref<5x2048xf32, #tpu.memory_space<vmem>> -> memref<1x2048xf32, #tpu.memory_space<vmem>>
    tpu.enqueue_dma source(%dma_start3A_15 : memref<1x2048xf32, #tpu.memory_space<vmem>>) target(%dma_start3A_13 : memref<1x2048xf32, #tpu.memory_space<hbm>>) target_semaphore(%arg7 : memref<!tpu.dma_semaphore, #tpu.memory_space<semaphore_mem>>)
    %slice3A_16 = vector.extract_strided_slice %get3A_4 {offsets = [1], sizes = [1], strides = [1]} : vector<4xi32> to vector<1xi32>
    %squeeze3A_17 = vector.extract %slice3A_16[0] : i32 from vector<1xi32>
    %add3A_18 = arith.constant 0 : i32
    %add3A_19 = arith.addi %mul3A_2, %add3A_18 : i32
    %add3A_20 = arith.constant 1 : i32
    %add3A_21 = arith.addi %add3A_19, %add3A_20 : i32
    %dma_start3A_22 = arith.constant 0 : i32
    %dma_start3A_23 = tpu.memref_slice %arg6[%squeeze3A_17, %dma_start3A_22] : memref<5x2048xf32, #tpu.memory_space<vmem>> -> memref<1x2048xf32, #tpu.memory_space<vmem>>
    %dma_start3A_24 = arith.constant 0 : i32
    %dma_start3A_25 = tpu.memref_slice %arg4[%add3A_21, %dma_start3A_24] : memref<16384x2048xf32, #tpu.memory_space<hbm>> -> memref<1x2048xf32, #tpu.memory_space<hbm>>
    %dma_start3A_26 = arith.constant 0 : i32
    %dma_start3A_27 = tpu.memref_slice %arg4[%add3A_21, %dma_start3A_26] : memref<16384x2048xf32, #tpu.memory_space<hbm>> -> memref<1x2048xf32, #tpu.memory_space<hbm>>
    %dma_start3A_28 = arith.constant 0 : i32
    %dma_start3A_29 = tpu.memref_slice %arg6[%squeeze3A_17, %dma_start3A_28] : memref<5x2048xf32, #tpu.memory_space<vmem>> -> memref<1x2048xf32, #tpu.memory_space<vmem>>
    tpu.enqueue_dma source(%dma_start3A_29 : memref<1x2048xf32, #tpu.memory_space<vmem>>) target(%dma_start3A_27 : memref<1x2048xf32, #tpu.memory_space<hbm>>) target_semaphore(%arg7 : memref<!tpu.dma_semaphore, #tpu.memory_space<semaphore_mem>>)
    %slice3A_30 = vector.extract_strided_slice %get3A_4 {offsets = [2], sizes = [1], strides = [1]} : vector<4xi32> to vector<1xi32>
    %squeeze3A_31 = vector.extract %slice3A_30[0] : i32 from vector<1xi32>
    %add3A_32 = arith.constant 0 : i32
    %add3A_33 = arith.addi %mul3A_2, %add3A_32 : i32
    %add3A_34 = arith.constant 2 : i32
    %add3A_35 = arith.addi %add3A_33, %add3A_34 : i32
    %dma_start3A_36 = arith.constant 0 : i32
    %dma_start3A_37 = tpu.memref_slice %arg6[%squeeze3A_31, %dma_start3A_36] : memref<5x2048xf32, #tpu.memory_space<vmem>> -> memref<1x2048xf32, #tpu.memory_space<vmem>>
    %dma_start3A_38 = arith.constant 0 : i32
    %dma_start3A_39 = tpu.memref_slice %arg4[%add3A_35, %dma_start3A_38] : memref<16384x2048xf32, #tpu.memory_space<hbm>> -> memref<1x2048xf32, #tpu.memory_space<hbm>>
    %dma_start3A_40 = arith.constant 0 : i32
    %dma_start3A_41 = tpu.memref_slice %arg4[%add3A_35, %dma_start3A_40] : memref<16384x2048xf32, #tpu.memory_space<hbm>> -> memref<1x2048xf32, #tpu.memory_space<hbm>>
    %dma_start3A_42 = arith.constant 0 : i32
    %dma_start3A_43 = tpu.memref_slice %arg6[%squeeze3A_31, %dma_start3A_42] : memref<5x2048xf32, #tpu.memory_space<vmem>> -> memref<1x2048xf32, #tpu.memory_space<vmem>>
    tpu.enqueue_dma source(%dma_start3A_43 : memref<1x2048xf32, #tpu.memory_space<vmem>>) target(%dma_start3A_41 : memref<1x2048xf32, #tpu.memory_space<hbm>>) target_semaphore(%arg7 : memref<!tpu.dma_semaphore, #tpu.memory_space<semaphore_mem>>)
    %slice3A_44 = vector.extract_strided_slice %get3A_4 {offsets = [3], sizes = [1], strides = [1]} : vector<4xi32> to vector<1xi32>
    %squeeze3A_45 = vector.extract %slice3A_44[0] : i32 from vector<1xi32>
    %add3A_46 = arith.constant 0 : i32
    %add3A_47 = arith.addi %mul3A_2, %add3A_46 : i32
    %add3A_48 = arith.constant 3 : i32
    %add3A_49 = arith.addi %add3A_47, %add3A_48 : i32
    %dma_start3A_50 = arith.constant 0 : i32
    %dma_start3A_51 = tpu.memref_slice %arg6[%squeeze3A_45, %dma_start3A_50] : memref<5x2048xf32, #tpu.memory_space<vmem>> -> memref<1x2048xf32, #tpu.memory_space<vmem>>
    %dma_start3A_52 = arith.constant 0 : i32
    %dma_start3A_53 = tpu.memref_slice %arg4[%add3A_49, %dma_start3A_52] : memref<16384x2048xf32, #tpu.memory_space<hbm>> -> memref<1x2048xf32, #tpu.memory_space<hbm>>
    %dma_start3A_54 = arith.constant 0 : i32
    %dma_start3A_55 = tpu.memref_slice %arg4[%add3A_49, %dma_start3A_54] : memref<16384x2048xf32, #tpu.memory_space<hbm>> -> memref<1x2048xf32, #tpu.memory_space<hbm>>
    %dma_start3A_56 = arith.constant 0 : i32
    %dma_start3A_57 = tpu.memref_slice %arg6[%squeeze3A_45, %dma_start3A_56] : memref<5x2048xf32, #tpu.memory_space<vmem>> -> memref<1x2048xf32, #tpu.memory_space<vmem>>
    tpu.enqueue_dma source(%dma_start3A_57 : memref<1x2048xf32, #tpu.memory_space<vmem>>) target(%dma_start3A_55 : memref<1x2048xf32, #tpu.memory_space<hbm>>) target_semaphore(%arg7 : memref<!tpu.dma_semaphore, #tpu.memory_space<semaphore_mem>>)
    %scan3A = arith.constant 0 : i32
    %scan3A_58 = arith.constant 127 : i32
    %scan3A_59 = arith.addi %scan3A, %scan3A_58 : i32
    %scan3A_60 = arith.constant 1 : i32
    scf.for %scan3A_66 = %scan3A to %scan3A_59 step %scan3A_60  : i32 {
      %mul3A_67 = arith.constant 1 : i32
      %mul3A_68 = arith.muli %scan3A_66, %mul3A_67 : i32
      %add3A_69 = arith.constant 1 : i32
      %add3A_70 = arith.addi %add3A_69, %mul3A_68 : i32
      %mul3A_71 = arith.constant 4 : i32
      %mul3A_72 = arith.muli %add3A_70, %mul3A_71 : i32
      %get3A_73 = arith.index_cast %mul3A_72 : i32 to index
      %get3A_74 = tpu.vector_load %arg5[%get3A_73] {strides = array<i32>} : memref<512xi32, #tpu.memory_space<vmem>>, vector<4xi32>,
      %get3A_75 = vector.shape_cast %get3A_74 : vector<4xi32> to vector<4xi32>
      %slice3A_76 = vector.extract_strided_slice %get3A_75 {offsets = [0], sizes = [1], strides = [1]} : vector<4xi32> to vector<1xi32>
      %squeeze3A_77 = vector.extract %slice3A_76[0] : i32 from vector<1xi32>
      %mul3A_78 = arith.constant 4 : i32
      %mul3A_79 = arith.muli %add3A_70, %mul3A_78 : i32
      %add3A_80 = arith.addi %mul3A_2, %mul3A_79 : i32
      %add3A_81 = arith.constant 0 : i32
      %add3A_82 = arith.addi %add3A_80, %add3A_81 : i32
      %dma_start3A_83 = arith.constant 0 : i32
      %dma_start3A_84 = tpu.memref_slice %arg6[%squeeze3A_77, %dma_start3A_83] : memref<5x2048xf32, #tpu.memory_space<vmem>> -> memref<1x2048xf32, #tpu.memory_space<vmem>>
      %dma_start3A_85 = arith.constant 0 : i32
      %dma_start3A_86 = tpu.memref_slice %arg4[%add3A_82, %dma_start3A_85] : memref<16384x2048xf32, #tpu.memory_space<hbm>> -> memref<1x2048xf32, #tpu.memory_space<hbm>>
      %dma_start3A_87 = arith.constant 0 : i32
      %dma_start3A_88 = tpu.memref_slice %arg4[%add3A_82, %dma_start3A_87] : memref<16384x2048xf32, #tpu.memory_space<hbm>> -> memref<1x2048xf32, #tpu.memory_space<hbm>>
      %dma_start3A_89 = arith.constant 0 : i32
      %dma_start3A_90 = tpu.memref_slice %arg6[%squeeze3A_77, %dma_start3A_89] : memref<5x2048xf32, #tpu.memory_space<vmem>> -> memref<1x2048xf32, #tpu.memory_space<vmem>>
      tpu.enqueue_dma source(%dma_start3A_90 : memref<1x2048xf32, #tpu.memory_space<vmem>>) target(%dma_start3A_88 : memref<1x2048xf32, #tpu.memory_space<hbm>>) target_semaphore(%arg7 : memref<!tpu.dma_semaphore, #tpu.memory_space<semaphore_mem>>)
      %slice3A_91 = vector.extract_strided_slice %get3A_75 {offsets = [1], sizes = [1], strides = [1]} : vector<4xi32> to vector<1xi32>
      %squeeze3A_92 = vector.extract %slice3A_91[0] : i32 from vector<1xi32>
      %mul3A_93 = arith.constant 4 : i32
      %mul3A_94 = arith.muli %add3A_70, %mul3A_93 : i32
      %add3A_95 = arith.addi %mul3A_2, %mul3A_94 : i32
      %add3A_96 = arith.constant 1 : i32
      %add3A_97 = arith.addi %add3A_95, %add3A_96 : i32
      %dma_start3A_98 = arith.constant 0 : i32
      %dma_start3A_99 = tpu.memref_slice %arg6[%squeeze3A_92, %dma_start3A_98] : memref<5x2048xf32, #tpu.memory_space<vmem>> -> memref<1x2048xf32, #tpu.memory_space<vmem>>
      %dma_start3A_100 = arith.constant 0 : i32
      %dma_start3A_101 = tpu.memref_slice %arg4[%add3A_97, %dma_start3A_100] : memref<16384x2048xf32, #tpu.memory_space<hbm>> -> memref<1x2048xf32, #tpu.memory_space<hbm>>
      %dma_start3A_102 = arith.constant 0 : i32
      %dma_start3A_103 = tpu.memref_slice %arg4[%add3A_97, %dma_start3A_102] : memref<16384x2048xf32, #tpu.memory_space<hbm>> -> memref<1x2048xf32, #tpu.memory_space<hbm>>
      %dma_start3A_104 = arith.constant 0 : i32
      %dma_start3A_105 = tpu.memref_slice %arg6[%squeeze3A_92, %dma_start3A_104] : memref<5x2048xf32, #tpu.memory_space<vmem>> -> memref<1x2048xf32, #tpu.memory_space<vmem>>
      tpu.enqueue_dma source(%dma_start3A_105 : memref<1x2048xf32, #tpu.memory_space<vmem>>) target(%dma_start3A_103 : memref<1x2048xf32, #tpu.memory_space<hbm>>) target_semaphore(%arg7 : memref<!tpu.dma_semaphore, #tpu.memory_space<semaphore_mem>>)
      %slice3A_106 = vector.extract_strided_slice %get3A_75 {offsets = [2], sizes = [1], strides = [1]} : vector<4xi32> to vector<1xi32>
      %squeeze3A_107 = vector.extract %slice3A_106[0] : i32 from vector<1xi32>
      %mul3A_108 = arith.constant 4 : i32
      %mul3A_109 = arith.muli %add3A_70, %mul3A_108 : i32
      %add3A_110 = arith.addi %mul3A_2, %mul3A_109 : i32
      %add3A_111 = arith.constant 2 : i32
      %add3A_112 = arith.addi %add3A_110, %add3A_111 : i32
      %dma_start3A_113 = arith.constant 0 : i32
      %dma_start3A_114 = tpu.memref_slice %arg6[%squeeze3A_107, %dma_start3A_113] : memref<5x2048xf32, #tpu.memory_space<vmem>> -> memref<1x2048xf32, #tpu.memory_space<vmem>>
      %dma_start3A_115 = arith.constant 0 : i32
      %dma_start3A_116 = tpu.memref_slice %arg4[%add3A_112, %dma_start3A_115] : memref<16384x2048xf32, #tpu.memory_space<hbm>> -> memref<1x2048xf32, #tpu.memory_space<hbm>>
      %dma_start3A_117 = arith.constant 0 : i32
      %dma_start3A_118 = tpu.memref_slice %arg4[%add3A_112, %dma_start3A_117] : memref<16384x2048xf32, #tpu.memory_space<hbm>> -> memref<1x2048xf32, #tpu.memory_space<hbm>>
      %dma_start3A_119 = arith.constant 0 : i32
      %dma_start3A_120 = tpu.memref_slice %arg6[%squeeze3A_107, %dma_start3A_119] : memref<5x2048xf32, #tpu.memory_space<vmem>> -> memref<1x2048xf32, #tpu.memory_space<vmem>>
      tpu.enqueue_dma source(%dma_start3A_120 : memref<1x2048xf32, #tpu.memory_space<vmem>>) target(%dma_start3A_118 : memref<1x2048xf32, #tpu.memory_space<hbm>>) target_semaphore(%arg7 : memref<!tpu.dma_semaphore, #tpu.memory_space<semaphore_mem>>)
      %slice3A_121 = vector.extract_strided_slice %get3A_75 {offsets = [3], sizes = [1], strides = [1]} : vector<4xi32> to vector<1xi32>
      %squeeze3A_122 = vector.extract %slice3A_121[0] : i32 from vector<1xi32>
      %mul3A_123 = arith.constant 4 : i32
      %mul3A_124 = arith.muli %add3A_70, %mul3A_123 : i32
      %add3A_125 = arith.addi %mul3A_2, %mul3A_124 : i32
      %add3A_126 = arith.constant 3 : i32
      %add3A_127 = arith.addi %add3A_125, %add3A_126 : i32
      %dma_start3A_128 = arith.constant 0 : i32
      %dma_start3A_129 = tpu.memref_slice %arg6[%squeeze3A_122, %dma_start3A_128] : memref<5x2048xf32, #tpu.memory_space<vmem>> -> memref<1x2048xf32, #tpu.memory_space<vmem>>
      %dma_start3A_130 = arith.constant 0 : i32
      %dma_start3A_131 = tpu.memref_slice %arg4[%add3A_127, %dma_start3A_130] : memref<16384x2048xf32, #tpu.memory_space<hbm>> -> memref<1x2048xf32, #tpu.memory_space<hbm>>
      %dma_start3A_132 = arith.constant 0 : i32
      %dma_start3A_133 = tpu.memref_slice %arg4[%add3A_127, %dma_start3A_132] : memref<16384x2048xf32, #tpu.memory_space<hbm>> -> memref<1x2048xf32, #tpu.memory_space<hbm>>
      %dma_start3A_134 = arith.constant 0 : i32
      %dma_start3A_135 = tpu.memref_slice %arg6[%squeeze3A_122, %dma_start3A_134] : memref<5x2048xf32, #tpu.memory_space<vmem>> -> memref<1x2048xf32, #tpu.memory_space<vmem>>
      tpu.enqueue_dma source(%dma_start3A_135 : memref<1x2048xf32, #tpu.memory_space<vmem>>) target(%dma_start3A_133 : memref<1x2048xf32, #tpu.memory_space<hbm>>) target_semaphore(%arg7 : memref<!tpu.dma_semaphore, #tpu.memory_space<semaphore_mem>>)
      %dma_wait3A_136 = arith.constant 0 : i32
      %dma_wait3A_137 = tpu.memref_slice %arg4[%mul3A_2, %dma_wait3A_136] : memref<16384x2048xf32, #tpu.memory_space<hbm>> -> memref<4x2048xf32, #tpu.memory_space<hbm>>
      %dma_wait3A_138 = arith.constant 0 : i32
      %dma_wait3A_139 = arith.constant 0 : i32
      %dma_wait3A_140 = tpu.memref_slice %arg4[%dma_wait3A_138, %dma_wait3A_139] : memref<16384x2048xf32, #tpu.memory_space<hbm>> -> memref<4x2048xf32, #tpu.memory_space<hbm>>
      tpu.wait_dma2 semaphore(%arg7 : memref<!tpu.dma_semaphore, #tpu.memory_space<semaphore_mem>>) src(%dma_wait3A_140 : memref<4x2048xf32, #tpu.memory_space<hbm>>) dst(%dma_wait3A_137 : memref<4x2048xf32, #tpu.memory_space<hbm>>)
    }
    %scan3A_61 = arith.constant 127 : i32
    %dma_wait3A = arith.constant 0 : i32
    %dma_wait3A_62 = tpu.memref_slice %arg4[%mul3A_2, %dma_wait3A] : memref<16384x2048xf32, #tpu.memory_space<hbm>> -> memref<4x2048xf32, #tpu.memory_space<hbm>>
    %dma_wait3A_63 = arith.constant 0 : i32
    %dma_wait3A_64 = arith.constant 0 : i32
    %dma_wait3A_65 = tpu.memref_slice %arg4[%dma_wait3A_63, %dma_wait3A_64] : memref<16384x2048xf32, #tpu.memory_space<hbm>> -> memref<4x2048xf32, #tpu.memory_space<hbm>>
    tpu.wait_dma2 semaphore(%arg7 : memref<!tpu.dma_semaphore, #tpu.memory_space<semaphore_mem>>) src(%dma_wait3A_65 : memref<4x2048xf32, #tpu.memory_space<hbm>>) dst(%dma_wait3A_62 : memref<4x2048xf32, #tpu.memory_space<hbm>>)
    return
  }
}

</mosaic_0001>

<sc_bundles>
// kernel: kernel.3.cloned.1.call-start
scs
__scs_entry_jumppad:
0x0: {  	(pc) =	sbr.rel $0x88, $3  }
0x1: {  	(tag) =	ssettag $0x0;
	lr =	simm.s32 $0x1  }
0x2: {  	[smem:$0x3F9F] =	sst lr;
	_ =	strace $0xD0000000  }
0x3: {  	_ = 	snop  }
0x4: {  	_ = 	snop  }
0x5: {  	_ = 	snop  }
0x6: {  	_ = 	snop  }
0x7: {  	_ = 	snop  }
__scs_overlays_trampoline_lowered:
0x8: {  	[smem:$0x3FAE] =	sst s0  }
0x9: {  	[smem:$0x3FAF] =	sst s1  }
0xa: {  	[smem:$0x3FB0] =	sst s2  }
0xb: {  	[smem:$0x3FB1] =	sst s3  }
0xc: {  	[smem:$0x3FB2] =	sst s4  }
0xd: {  	[smem:$0x3FB3] =	sst s5  }
0xe: {  	[smem:$0x3FB4] =	sst s6  }
0xf: {  	[smem:$0x3FB5] =	sst s7  }
0x10: {  	[smem:$0x3FB6] =	sst s8  }
0x11: {  	[smem:$0x3FB7] =	sst s9;
	s0 =	simm.s32 @!p0 $0x0  }
0x12: {  	s1 =	sld [smem:$0x3F9D];
	s0 =	simm.s32 @p0 $0x1  }
0x13: {  	[smem:$0x3FB8] =	sst s0;
	s0 =	simm.s32 @!p1 $0x0  }
0x14: {  	s2 =	sld [smem:$0x3F9C];
	s0 =	simm.s32 @p1 $0x1  }
0x15: {  	[smem:$0x3FB9] =	sst s0;
	s0 =	simm.s32 @!p2 $0x0  }
0x16: {  	s3 =	sld [smem:$0x3FDB];
	s0 =	simm.s32 @p2 $0x1  }
0x17: {  	s4 =	simm.s32 $0x1BF5;
	[smem:$0x3FBB] =	sst s0  }
0x18: {  	s0 =	sld [smem:$0x3F9E];
	_ =	swait.ge [sflag:s4], $0x0  }
0x19: {  	s7 =	sld [smem:$0x3F9F]  }
0x1a: {  	s8 =	sadd.s32 $0xFFFFE003, lr  }
0x1b: {  	s9 =	sadd.s32 $0xFFFFFEF7, lr;
	s5 =	simm.s32 $0xFFFFFFFF;
	p2 =	slt.u32 s8, $0xFFFFF086  }
0x1c: {  	p1 =	slt.u32 s9, $0xF7A;
	s5 =	simm.s32 @!p2 $0x0  }
0x1d: {  	s5 =	simm.s32 @p1 $0x1;
	p0 =	seq.s32 s7, s2  }
0x1e: {  	s7 =	smul.u32 @!p0 $0xF7A, s2;
	p2 =	seq.s32 @!p0 s5, $0x0  }
0x1f: {  	s9 =	smul.u32 $0xF7A, s1;
	s8 =	simm.s32 @!p0 $0x1BF5;
	p2 =	por !p2, p0  }
0x20: {  	[sflag:s8] =	ssyncset.s32 @!p0 $0xFFFFF086;
	s6 =	sadd.s32 @!p0 s3, s7;
	s7 =	simm.s32 @!p0 $0x108  }
0x21: {  	s3 =	sadd.s32 s3, s9;
	s6 =	sadd.s32 @!p0 $0x88, s6;
	s7 =	simm.s32 @p2 $0x1082  }
0x22: {  	[simem:s7], [sflag:s8] =	dma.local @!p0 [hbm:s6], $0xF7A  }
0x23: {  	s9 =	sor.u32 $0xD0000000, s2;
	s6 =	simm.s32 $0x108;
	_ =	swait.ge @!p0 [sflag:s8], $0x0  }
0x24: {  	s3 =	sadd.s32 $0x88, s3;
	s6 =	simm.s32 @!p1 $0x1082;
	[sflag:s4] =	ssyncset.s32 $0xFFFFF086  }
0x25: {  	[simem:s6], [sflag:s4] =	dma.local [hbm:s3], $0xF7A  }
0x26: {  	[smem:$0x3F9F] =	sst s1;
	(tag) =	ssettag s2;
	_ =	strace s9  }
0x27: {  	s1 =	sld [smem:$0x3FAF]  }
0x28: {  	s2 =	sld [smem:$0x3FB0]  }
0x29: {  	s4 =	sld [smem:$0x3FB2]  }
0x2a: {  	p0 =	seq.s32 s5, $0x0;
	s5 =	sld [smem:$0x3FB3]  }
0x2b: {  	s6 =	sld [smem:$0x3FB4]  }
0x2c: {  	s7 =	sld [smem:$0x3FB5]  }
0x2d: {  	s3 =	simm.s32 $0x108;
	s8 =	sld [smem:$0x3FB6]  }
0x2e: {  	s3 =	simm.s32 @!p0 $0x1082;
	s9 =	sld [smem:$0x3FB7]  }
0x2f: {  	lr =	sadd.s32 s0, s3;
	s0 =	sld [smem:$0x3FAE]  }
0x30: {  	s3 =	sld [smem:$0x3FB1]  }
0x31: {  	[smem:$0x3FBA] =	sst s10  }
0x32: {  	s10 =	sld [smem:$0x3FB8];
	_ =	sdelay $0x3  }
0x33: {  	p0 =	seq.s32 s10, $0x1;
	s10 =	sld [smem:$0x3FBA];
	_ =	sdelay $0x3  }
0x34: {  	[smem:$0x3FBA] =	sst s10  }
0x35: {  	s10 =	sld [smem:$0x3FB9];
	_ =	sdelay $0x3  }
0x36: {  	p1 =	seq.s32 s10, $0x1;
	s10 =	sld [smem:$0x3FBA];
	_ =	sdelay $0x3  }
0x37: {  	[smem:$0x3FBA] =	sst s10  }
0x38: {  	s10 =	sld [smem:$0x3FBB]  }
0x39: {  	_ = 	snop;
	(pc) =	sbr.ind lr, $3  }
0x3a: {  	_ = 	snop  }
0x3b: {  	_ = 	snop  }
0x3c: {  	p2 =	seq.s32 s10, $0x1;
	s10 =	sld [smem:$0x3FBA]  }
0x3d: {  	_ =	shalt  }
0x3e: {  	_ =	shalt  }
0x3f: {  	_ =	shalt  }
0x40: {  	_ =	shalt  }
0x41: {  	_ =	shalt  }
0x42: {  	_ =	shalt  }
0x43: {  	_ =	shalt  }
0x44: {  	_ =	shalt  }
0x45: {  	_ =	shalt  }
0x46: {  	_ =	shalt  }
0x47: {  	_ =	shalt  }
0x48: {  	_ =	shalt  }
0x49: {  	_ =	shalt  }
0x4a: {  	_ =	shalt  }
0x4b: {  	_ =	shalt  }
0x4c: {  	_ =	shalt  }
0x4d: {  	_ =	shalt  }
0x4e: {  	_ =	shalt  }
0x4f: {  	_ =	shalt  }
0x50: {  	_ =	shalt  }
0x51: {  	_ =	shalt  }
0x52: {  	_ =	shalt  }
0x53: {  	_ =	shalt  }
0x54: {  	_ =	shalt  }
0x55: {  	_ =	shalt  }
0x56: {  	_ =	shalt  }
0x57: {  	_ =	shalt  }
0x58: {  	_ =	shalt  }
0x59: {  	_ =	shalt  }
0x5a: {  	_ =	shalt  }
0x5b: {  	_ =	shalt  }
0x5c: {  	_ =	shalt  }
0x5d: {  	_ =	shalt  }
0x5e: {  	_ =	shalt  }
0x5f: {  	_ =	shalt  }
0x60: {  	_ =	shalt  }
0x61: {  	_ =	shalt  }
0x62: {  	_ =	shalt  }
0x63: {  	_ =	shalt  }
0x64: {  	_ =	shalt  }
0x65: {  	_ =	shalt  }
0x66: {  	_ =	shalt  }
0x67: {  	_ =	shalt  }
0x68: {  	_ =	shalt  }
0x69: {  	_ =	shalt  }
0x6a: {  	_ =	shalt  }
0x6b: {  	_ =	shalt  }
0x6c: {  	_ =	shalt  }
0x6d: {  	_ =	shalt  }
0x6e: {  	_ =	shalt  }
0x6f: {  	_ =	shalt  }
0x70: {  	_ =	shalt  }
0x71: {  	_ =	shalt  }
0x72: {  	_ =	shalt  }
0x73: {  	_ =	shalt  }
0x74: {  	_ =	shalt  }
0x75: {  	_ =	shalt  }
0x76: {  	_ =	shalt  }
0x77: {  	_ =	shalt  }
0x78: {  	_ =	shalt  }
0x79: {  	_ =	shalt  }
0x7a: {  	_ =	shalt  }
0x7b: {  	_ =	shalt  }
0x7c: {  	_ =	shalt  }
0x7d: {  	_ =	shalt  }
0x7e: {  	_ =	shalt  }
0x7f: {  	_ =	shalt  }
0x80: {  	_ =	shalt  }
0x81: {  	_ =	shalt  }
0x82: {  	_ =	shalt  }
0x83: {  	_ =	shalt  }
0x84: {  	_ =	shalt  }
0x85: {  	_ =	shalt  }
0x86: {  	_ =	shalt  }
0x87: {  	_ =	shalt  }
.Lfunc_end0:
.L_simem_size_0:
called_computation_lowered:
.L_overlay_start_0:
0x88: {  	s2 =	sld [smem:$0x3FD9]  }
0x89: {  	s3 =	sld [smem:$0x3FFE];
	_ =	sdelay $0x1  }
0x8a: {  	s1 =	srdreg.scid  }
0x8b: {  	s0 =	sand.u32 $0x1, s1  }
0x8c: {  	s18 =	sshll.u32 s0, $0xA;
	s2 =	sadd.s32 s3, s2  }
0x8d: {  	s2 =	sadd.s32 s2, s18  }
0x8e: {  	[smem:$0x3FC6] =	sst s2  }
0x8f: {  	_ = 	snop  }
0x90: {  	s2 =	sld [smem:$0x3FC9]  }
0x91: {  	s19 =	sld [smem:$0x3FC8]  }
0x92: {  	s4 =	sld [smem:$0x3FD0];
	(tm) =	ssettm $0x1  }
0x93: {  	s5 =	sld [smem:$0x3FFB];
	_ =	sdelay $0x3  }
0x94: {  	_ =	strace s5  }
0x95: {  	s5 =	sld [smem:$0x3FFC];
	_ =	sdelay $0x3  }
0x96: {  	_ =	strace s5  }
0x97: {  	s5 =	sld [smem:$0x3FFD];
	_ =	sdelay $0x3  }
0x98: {  	_ =	strace s5  }
0x99: {  	_ =	strace $0x8FFFFFFF  }
0x9a: {  	s20 =	sld [smem:$0x3FDB];
	_ =	sdelay $0x1  }
0x9b: {  	s6 =	simm.s32 $_scs_section_size  }
0x9c: {  	s7 =	simm.s32 $_size__tile_overlayer_lowered;
	s8 =	simm.s32 $_tile_overlayer_lowered  }
0x9d: {  	s23 =	simm.s32 $0x1BFF;
	s22 =	sshll.u32 s8, $0x1;
	s5 =	sadd.s32 s6, s20  }
0x9e: {  	s9 =	simm.s32 $0x0;
	s21 =	sshll.u32 s7, $0x1;
	s7 =	sadd.s32 s22, s5  }
0x9f: {  	[timem:s9], [sflag:s23] =	dma.local [hbm:s7], s21  }
0xa0: {  	_ =	swait.ge [sflag:s23], s21  }
0xa1: {  	s6 =	ssub.s32 $0x0, s21;
	[sflag:s23] =	ssyncset.done $0x0  }
0xa2: {  	[sflag:s23] =	ssyncadd.s32 s6;
	_ =	sdelay $0x1  }
0xa3: {  	s24 =	simm.s32 $0x1B8B  }
0xa4: {  	_ =	swait.ge [sflag:s24], $0x1  }
0xa5: {  	[sflag:s24] =	ssyncset.done $0x0  }
0xa6: {  	s25 =	simm.s32 $0x1B8E;
	[sflag:s24] =	ssyncadd.s32 $0xFFFFFFFF  }
0xa7: {  	s26 =	simm.s32 $execute0_lowered;
	[smem:$0x3FD2] =	sst s25  }
0xa8: {  	s6 =	sshll.u32 s26, $0x1;
	_ =	strace $0x80000046;
	[dreg:$0x1] =	wrdreg $0xFFFFFFFF  }
0xa9: {  	s28 =	simm.s32 $_size_execute0_lowered;
	s5 =	sadd.s32 s5, s6;
	[dreg:$0x0] =	wrdreg $0x0  }
0xaa: {  	s6 =	sshll.u32 s28, $0x1;
	[dreg:$0x2] =	wrdreg s5  }
0xab: {  	[dreg:$0x3] =	wrdreg s6  }
0xac: {  	[dreg:$0x4] =	wrdreg $0xC0  }
0xad: {  	_ =	task [dreg:s9], $0x5FFFF  }
0xae: {  	[dreg:$0x1] =	wrdreg $0xFFFFFFFF  }
0xaf: {  	[dreg:$0x0] =	wrdreg $0x60  }
0xb0: {  	[dreg:$0x2] =	wrdreg s2  }
0xb1: {  	[dreg:$0x3] =	wrdreg s19  }
0xb2: {  	[dreg:$0x4] =	wrdreg s4  }
0xb3: {  	[dreg:$0x5] =	wrdreg $0x9  }
0xb4: {  	_ =	task.clear_ibuf [dreg:s9], $0x6FFFF;
	_ =	strace $0x90000046  }
0xb5: {  	s29 =	simm.s32 $0x9;
	_ =	strace $0x80000048  }
0xb6: {  	_ =	swait.ge [sflag:s29], $0x1  }
0xb7: {  	[sflag:s29] =	ssyncadd.s32 $0xFFFFFFFF  }
0xb8: {  	_ =	strace $0x90000048  }
0xb9: {  	_ =	sfence  }
0xba: {  	s30 =	sld [smem:$0x0];
	_ =	sdelay $0x2  }
0xbb: {  	s31 =	sshll.u32 s1, $0xD;
	s1 =	sshrl.u32 s1, $0x2  }
0xbc: {  	s3 =	sand.u32 $0x4000, s31;
	s1 =	sadd.s32 s1, s30  }
0xbd: {  	s0 =	sor.u32 s3, s0;
	s1 =	sshll.u32 s1, $0x11  }
0xbe: {  	s0 =	sor.u32 s1, s0  }
0xbf: {  	s0 =	sadd.s32 $0x8F2B, s0  }
0xc0: {  	[sflag:s0] =	ssyncadd.remote.s32 $0x1  }
0xc1: {  	_ =	sfence.sel $0xFFFF  }
0xc2: {  	[dreg:$0x0] =	wrdreg $0xFFFFFFFF;
	(pc) =	sbr.abs _section_cstart, $3  }
0xc3: {  	[dreg:$0x1] =	wrdreg $0xFFFFFFFF  }
0xc4: {  	_ =	task.clear_ibuf [dreg:s9], $0x2FFFF;
	_ =	strace $0x9FFFFFFF  }
0xc5: {  	(tm) =	ssettm $0x7FFFFFFF  }
tec
execute0_lowered:
.L_overlay_start_1:
0x0: {  	(tag) =	ssettag $0x1  }
0x1: {  	s0 =	rddreg [dreg:$0x0]  }
0x2: {  	s3 =	rddreg [dreg:$0x2];
	s1 =	srdreg.scid  }
0x3: {  	s2 =	stileid.u32;
	s4 =	simm.s32 $0x0;
	s13 =	simm.s32 $0x2  }
0x4: {  	s28 =	simm.s32 $0x1;
	s29 =	simm.s32 $0x0;
	s1 =	sand.u32 $0x1, s1  }
0x5: {  	s2 =	sshll.u32 s2, $0xA;
	[smem:$0x7FF] =	sst s4;
	s5 =	sshll.u32 s1, $0x9  }
0x6: {  	_ =	strace $0x80000047;
	s1 =	ssub.s32 $0x2, s1;
	s2 =	sor.u32 s5, s2  }
0x7: {  	s7 =	sshrl.u32 s1, $0x1;
	s6 =	sshll.u32 s2, $0x8;
	s2 =	sshrl.u32 s2, $0x3  }
0x8: {  	s1 =	ssub.s32 s1, s7;
	s5 =	sadd.s32 s3, s6;
	s0 =	sadd.s32 s0, s2  }
0x9: {  	s24 =	smax.u32 s1, $0x1;
	[dreg:$0x4] =	wrdreg s0;
	s7 =	sadd.s32 $0x10, s5  }
0xa: {  	s8 =	sadd.s32 $0x20, s5;
	s9 =	sadd.s32 $0x30, s5;
	[dreg:$0x5] =	wrdreg s24  }
0xb: {  	s0 =	sor.u32 $0x400, s6;
	s25 =	sadd.s32 $0x80, s5;
	s26 =	sadd.s32 $0x100, s5  }
0xc: {  	s30 =	sadd.s32 $0x180, s5;
	s31 =	sadd.s32 $0x200, s5;
	s18 =	sadd.s32 $0x280, s5  }
0xd: {  	s19 =	sadd.s32 $0x300, s5;
	s20 =	sadd.s32 $0x380, s5;
	[dreg:$0x6] =	wrdreg s25  }
0xe: {  	s21 =	sadd.s32 $0x400, s5;
	s22 =	sadd.s32 $0x480, s5;
	[dreg:$0x7] =	wrdreg s26  }
0xf: {  	s23 =	sadd.s32 $0x500, s5;
	s24 =	sadd.s32 $0x580, s5;
	[dreg:$0x8] =	wrdreg s30  }
0x10: {  	[dreg:$0x9] =	wrdreg s31;
	s25 =	sadd.s32 $0x600, s5;
	s26 =	sadd.s32 $0x680, s5  }
.LBB2_1:
0x11: {  	s1 =	rddreg [dreg:$0x1];
	s2 =	simm.s32 $0x200  }
0x12: {  	[tilespmem:s2], [sflag:$0x2] =	stream.linear.gather [hbm4b:s1+s4], $0x4000, $0x38;
	[tilespmem:$0x4200] =	vst v63  }
0x13: {  	_ =	swait.ge [sflag:s13], $0x4000  }
0x14: {  	[sflag:s13] =	ssyncset.done $0x0  }
0x15: {  	s11 =	rddreg [dreg:$0x4];
	[sflag:s13] =	ssyncadd.s32 $0xFFFFC000  }
0x16: {  	[tilespmem:s4], [sflag:$0x2] =	stream.linear.gather [hbm4b:s11+s4], $0x200, $0x38;
	[tilespmem:$0x4200] =	vst v63  }
0x17: {  	_ =	swait.ge [sflag:s13], $0x200  }
0x18: {  	[sflag:s13] =	ssyncset.done $0x0  }
0x19: {  	[sflag:s13] =	ssyncadd.s32 $0xFFFFFE00  }
0x1a: {  	v0 =	vld.msk [tilespmem:$0x0], $0xf;
	_ =	sdelay $0x4  }
0x1b: {  	(v2sf) =	vpush v0, $0x0;
	_ =	sdelay $0xe  }
0x1c: {  	s12 =	spop (v2sf)  }
0x1d: {  	s14 =	sshll.u32 s12, $0xB;
	s1 =	sshll.u32 s12, $0x7  }
0x1e: {  	s2 =	sand.u32 $0xFFFFC000, s14;
	s1 =	sand.u32 $0x380, s1  }
0x1f: {  	s1 =	sor.u32 s1, s2  }
0x20: {  	s2 =	sadd.s32 $0x200, s1  }
0x21: {  	[hbm4b:s5+s4] =	stream.linear.scatter [tilespmem:s2], [sflag:$0x1], $0x80, $0x38;
	[tilespmem:$0x4200] =	vst v63  }
0x22: {  	s6 =	rddreg [dreg:$0x6];
	s15 =	sadd.s32 $0x600, s1  }
0x23: {  	[hbm4b:s6+s4] =	stream.linear.scatter [tilespmem:s15], [sflag:$0x1], $0x80, $0x38;
	[tilespmem:$0x4200] =	vst v63  }
0x24: {  	s17 =	rddreg [dreg:$0x7];
	s16 =	sadd.s32 $0xA00, s1  }
0x25: {  	[hbm4b:s17+s4] =	stream.linear.scatter [tilespmem:s16], [sflag:$0x1], $0x80, $0x38;
	[tilespmem:$0x4200] =	vst v63  }
0x26: {  	s10 =	rddreg [dreg:$0x8];
	s6 =	sadd.s32 $0xE00, s1  }
0x27: {  	[hbm4b:s10+s4] =	stream.linear.scatter [tilespmem:s6], [sflag:$0x1], $0x80, $0x38;
	[tilespmem:$0x4200] =	vst v63  }
0x28: {  	s12 =	rddreg [dreg:$0x9];
	s11 =	sadd.s32 $0x1200, s1  }
0x29: {  	[hbm4b:s12+s4] =	stream.linear.scatter [tilespmem:s11], [sflag:$0x1], $0x80, $0x38;
	[tilespmem:$0x4200] =	vst v63  }
0x2a: {  	s14 =	sadd.s32 $0x1600, s1  }
0x2b: {  	[hbm4b:s18+s4] =	stream.linear.scatter [tilespmem:s14], [sflag:$0x1], $0x80, $0x38;
	[tilespmem:$0x4200] =	vst v63  }
0x2c: {  	s15 =	sadd.s32 $0x1A00, s1  }
0x2d: {  	[hbm4b:s19+s4] =	stream.linear.scatter [tilespmem:s15], [sflag:$0x1], $0x80, $0x38;
	[tilespmem:$0x4200] =	vst v63  }
0x2e: {  	s16 =	sadd.s32 $0x1E00, s1  }
0x2f: {  	(v2sf) =	vpush v0, $0x1;
	[hbm4b:s20+s4] =	stream.linear.scatter [tilespmem:s16], [sflag:$0x1], $0x80, $0x38;
	[tilespmem:$0x4200] =	vst v63  }
0x30: {  	s17 =	sadd.s32 $0x2200, s1  }
0x31: {  	[hbm4b:s21+s4] =	stream.linear.scatter [tilespmem:s17], [sflag:$0x1], $0x80, $0x38;
	[tilespmem:$0x4200] =	vst v63  }
0x32: {  	s6 =	sadd.s32 $0x2600, s1  }
0x33: {  	[hbm4b:s22+s4] =	stream.linear.scatter [tilespmem:s6], [sflag:$0x1], $0x80, $0x38;
	[tilespmem:$0x4200] =	vst v63  }
0x34: {  	s10 =	sadd.s32 $0x2A00, s1  }
0x35: {  	[hbm4b:s23+s4] =	stream.linear.scatter [tilespmem:s10], [sflag:$0x1], $0x80, $0x38;
	[tilespmem:$0x4200] =	vst v63  }
0x36: {  	s11 =	sadd.s32 $0x2E00, s1  }
0x37: {  	[hbm4b:s24+s4] =	stream.linear.scatter [tilespmem:s11], [sflag:$0x1], $0x80, $0x38;
	[tilespmem:$0x4200] =	vst v63  }
0x38: {  	s12 =	sadd.s32 $0x3200, s1  }
0x39: {  	[hbm4b:s25+s4] =	stream.linear.scatter [tilespmem:s12], [sflag:$0x1], $0x80, $0x38;
	[tilespmem:$0x4200] =	vst v63  }
0x3a: {  	s14 =	sadd.s32 $0x3600, s1  }
0x3b: {  	[hbm4b:s26+s4] =	stream.linear.scatter [tilespmem:s14], [sflag:$0x1], $0x80, $0x38;
	[tilespmem:$0x4200] =	vst v63  }
0x3c: {  	s15 =	sadd.s32 $0x3A00, s1;
	s16 =	sadd.s32 $0x700, s5  }
0x3d: {  	[hbm4b:s16+s4] =	stream.linear.scatter [tilespmem:s15], [sflag:$0x1], $0x80, $0x38;
	[tilespmem:$0x4200] =	vst v63  }
0x3e: {  	s1 =	sadd.s32 $0x3E00, s1;
	s17 =	sadd.s32 $0x780, s5;
	s6 =	spop (v2sf)  }
0x3f: {  	[hbm4b:s17+s4] =	stream.linear.scatter [tilespmem:s1], [sflag:$0x1], $0x80, $0x38;
	[tilespmem:$0x4200] =	vst v63  }
0x40: {  	s10 =	sshll.u32 s6, $0xB;
	s1 =	sshll.u32 s6, $0x7  }
0x41: {  	s2 =	sand.u32 $0xFFFFC000, s10;
	s1 =	sand.u32 $0x380, s1  }
0x42: {  	s1 =	sor.u32 s1, s2  }
0x43: {  	s2 =	sadd.s32 $0x200, s1  }
0x44: {  	[hbm4b:s7+s4] =	stream.linear.scatter [tilespmem:s2], [sflag:$0x1], $0x80, $0x38;
	[tilespmem:$0x4200] =	vst v63  }
0x45: {  	s12 =	sadd.s32 $0x80, s7;
	s11 =	sadd.s32 $0x600, s1  }
0x46: {  	[hbm4b:s12+s4] =	stream.linear.scatter [tilespmem:s11], [sflag:$0x1], $0x80, $0x38;
	[tilespmem:$0x4200] =	vst v63  }
0x47: {  	s15 =	sadd.s32 $0x100, s7;
	s14 =	sadd.s32 $0xA00, s1  }
0x48: {  	[hbm4b:s15+s4] =	stream.linear.scatter [tilespmem:s14], [sflag:$0x1], $0x80, $0x38;
	[tilespmem:$0x4200] =	vst v63  }
0x49: {  	s17 =	sadd.s32 $0x180, s7;
	s16 =	sadd.s32 $0xE00, s1  }
0x4a: {  	[hbm4b:s17+s4] =	stream.linear.scatter [tilespmem:s16], [sflag:$0x1], $0x80, $0x38;
	[tilespmem:$0x4200] =	vst v63  }
0x4b: {  	s10 =	sadd.s32 $0x200, s7;
	s6 =	sadd.s32 $0x1200, s1  }
0x4c: {  	[hbm4b:s10+s4] =	stream.linear.scatter [tilespmem:s6], [sflag:$0x1], $0x80, $0x38;
	[tilespmem:$0x4200] =	vst v63  }
0x4d: {  	s11 =	sadd.s32 $0x1600, s1;
	s12 =	sadd.s32 $0x280, s7  }
0x4e: {  	[hbm4b:s12+s4] =	stream.linear.scatter [tilespmem:s11], [sflag:$0x1], $0x80, $0x38;
	[tilespmem:$0x4200] =	vst v63  }
0x4f: {  	s14 =	sadd.s32 $0x1A00, s1;
	s15 =	sadd.s32 $0x300, s7  }
0x50: {  	[hbm4b:s15+s4] =	stream.linear.scatter [tilespmem:s14], [sflag:$0x1], $0x80, $0x38;
	[tilespmem:$0x4200] =	vst v63  }
0x51: {  	s16 =	sadd.s32 $0x1E00, s1;
	s17 =	sadd.s32 $0x380, s7  }
0x52: {  	(v2sf) =	vpush v0, $0x2;
	[hbm4b:s17+s4] =	stream.linear.scatter [tilespmem:s16], [sflag:$0x1], $0x80, $0x38;
	[tilespmem:$0x4200] =	vst v63  }
0x53: {  	s6 =	sadd.s32 $0x2200, s1;
	s10 =	sadd.s32 $0x400, s7  }
0x54: {  	[hbm4b:s10+s4] =	stream.linear.scatter [tilespmem:s6], [sflag:$0x1], $0x80, $0x38;
	[tilespmem:$0x4200] =	vst v63  }
0x55: {  	s11 =	sadd.s32 $0x2600, s1;
	s12 =	sadd.s32 $0x480, s7  }
0x56: {  	[hbm4b:s12+s4] =	stream.linear.scatter [tilespmem:s11], [sflag:$0x1], $0x80, $0x38;
	[tilespmem:$0x4200] =	vst v63  }
0x57: {  	s14 =	sadd.s32 $0x2A00, s1;
	s15 =	sadd.s32 $0x500, s7  }
0x58: {  	[hbm4b:s15+s4] =	stream.linear.scatter [tilespmem:s14], [sflag:$0x1], $0x80, $0x38;
	[tilespmem:$0x4200] =	vst v63  }
0x59: {  	s16 =	sadd.s32 $0x2E00, s1;
	s17 =	sadd.s32 $0x580, s7  }
0x5a: {  	[hbm4b:s17+s4] =	stream.linear.scatter [tilespmem:s16], [sflag:$0x1], $0x80, $0x38;
	[tilespmem:$0x4200] =	vst v63  }
0x5b: {  	s10 =	sadd.s32 $0x3200, s1;
	s11 =	sadd.s32 $0x600, s7  }
0x5c: {  	[hbm4b:s11+s4] =	stream.linear.scatter [tilespmem:s10], [sflag:$0x1], $0x80, $0x38;
	[tilespmem:$0x4200] =	vst v63  }
0x5d: {  	s12 =	sadd.s32 $0x3600, s1;
	s14 =	sadd.s32 $0x680, s7  }
0x5e: {  	[hbm4b:s14+s4] =	stream.linear.scatter [tilespmem:s12], [sflag:$0x1], $0x80, $0x38;
	[tilespmem:$0x4200] =	vst v63  }
0x5f: {  	s15 =	sadd.s32 $0x3A00, s1;
	s16 =	sadd.s32 $0x700, s7  }
0x60: {  	[hbm4b:s16+s4] =	stream.linear.scatter [tilespmem:s15], [sflag:$0x1], $0x80, $0x38;
	[tilespmem:$0x4200] =	vst v63  }
0x61: {  	s6 =	spop (v2sf);
	s1 =	sadd.s32 $0x3E00, s1;
	s17 =	sadd.s32 $0x780, s7  }
0x62: {  	[hbm4b:s17+s4] =	stream.linear.scatter [tilespmem:s1], [sflag:$0x1], $0x80, $0x38;
	[tilespmem:$0x4200] =	vst v63  }
0x63: {  	s10 =	sshll.u32 s6, $0xB;
	s1 =	sshll.u32 s6, $0x7  }
0x64: {  	s2 =	sand.u32 $0xFFFFC000, s10;
	s1 =	sand.u32 $0x380, s1  }
0x65: {  	s1 =	sor.u32 s1, s2  }
0x66: {  	s2 =	sadd.s32 $0x200, s1  }
0x67: {  	[hbm4b:s8+s4] =	stream.linear.scatter [tilespmem:s2], [sflag:$0x1], $0x80, $0x38;
	[tilespmem:$0x4200] =	vst v63  }
0x68: {  	s12 =	sadd.s32 $0x80, s8;
	s11 =	sadd.s32 $0x600, s1  }
0x69: {  	[hbm4b:s12+s4] =	stream.linear.scatter [tilespmem:s11], [sflag:$0x1], $0x80, $0x38;
	[tilespmem:$0x4200] =	vst v63  }
0x6a: {  	s15 =	sadd.s32 $0x100, s8;
	s14 =	sadd.s32 $0xA00, s1  }
0x6b: {  	[hbm4b:s15+s4] =	stream.linear.scatter [tilespmem:s14], [sflag:$0x1], $0x80, $0x38;
	[tilespmem:$0x4200] =	vst v63  }
0x6c: {  	s17 =	sadd.s32 $0x180, s8;
	s16 =	sadd.s32 $0xE00, s1  }
0x6d: {  	[hbm4b:s17+s4] =	stream.linear.scatter [tilespmem:s16], [sflag:$0x1], $0x80, $0x38;
	[tilespmem:$0x4200] =	vst v63  }
0x6e: {  	s10 =	sadd.s32 $0x200, s8;
	s6 =	sadd.s32 $0x1200, s1  }
0x6f: {  	[hbm4b:s10+s4] =	stream.linear.scatter [tilespmem:s6], [sflag:$0x1], $0x80, $0x38;
	[tilespmem:$0x4200] =	vst v63  }
0x70: {  	s11 =	sadd.s32 $0x1600, s1;
	s12 =	sadd.s32 $0x280, s8  }
0x71: {  	[hbm4b:s12+s4] =	stream.linear.scatter [tilespmem:s11], [sflag:$0x1], $0x80, $0x38;
	[tilespmem:$0x4200] =	vst v63  }
0x72: {  	s14 =	sadd.s32 $0x1A00, s1;
	s15 =	sadd.s32 $0x300, s8  }
0x73: {  	[hbm4b:s15+s4] =	stream.linear.scatter [tilespmem:s14], [sflag:$0x1], $0x80, $0x38;
	[tilespmem:$0x4200] =	vst v63  }
0x74: {  	s16 =	sadd.s32 $0x1E00, s1;
	s17 =	sadd.s32 $0x380, s8  }
0x75: {  	(v2sf) =	vpush v0, $0x3;
	[hbm4b:s17+s4] =	stream.linear.scatter [tilespmem:s16], [sflag:$0x1], $0x80, $0x38;
	[tilespmem:$0x4200] =	vst v63  }
0x76: {  	s6 =	sadd.s32 $0x2200, s1;
	s10 =	sadd.s32 $0x400, s8  }
0x77: {  	[hbm4b:s10+s4] =	stream.linear.scatter [tilespmem:s6], [sflag:$0x1], $0x80, $0x38;
	[tilespmem:$0x4200] =	vst v63  }
0x78: {  	s11 =	sadd.s32 $0x2600, s1;
	s12 =	sadd.s32 $0x480, s8  }
0x79: {  	[hbm4b:s12+s4] =	stream.linear.scatter [tilespmem:s11], [sflag:$0x1], $0x80, $0x38;
	[tilespmem:$0x4200] =	vst v63  }
0x7a: {  	s14 =	sadd.s32 $0x2A00, s1;
	s15 =	sadd.s32 $0x500, s8  }
0x7b: {  	[hbm4b:s15+s4] =	stream.linear.scatter [tilespmem:s14], [sflag:$0x1], $0x80, $0x38;
	[tilespmem:$0x4200] =	vst v63  }
0x7c: {  	s16 =	sadd.s32 $0x2E00, s1;
	s17 =	sadd.s32 $0x580, s8  }
0x7d: {  	[hbm4b:s17+s4] =	stream.linear.scatter [tilespmem:s16], [sflag:$0x1], $0x80, $0x38;
	[tilespmem:$0x4200] =	vst v63  }
0x7e: {  	s10 =	sadd.s32 $0x3200, s1;
	s11 =	sadd.s32 $0x600, s8  }
0x7f: {  	[hbm4b:s11+s4] =	stream.linear.scatter [tilespmem:s10], [sflag:$0x1], $0x80, $0x38;
	[tilespmem:$0x4200] =	vst v63  }
0x80: {  	s12 =	sadd.s32 $0x3600, s1;
	s14 =	sadd.s32 $0x680, s8  }
0x81: {  	[hbm4b:s14+s4] =	stream.linear.scatter [tilespmem:s12], [sflag:$0x1], $0x80, $0x38;
	[tilespmem:$0x4200] =	vst v63  }
0x82: {  	s15 =	sadd.s32 $0x3A00, s1;
	s16 =	sadd.s32 $0x700, s8  }
0x83: {  	[hbm4b:s16+s4] =	stream.linear.scatter [tilespmem:s15], [sflag:$0x1], $0x80, $0x38;
	[tilespmem:$0x4200] =	vst v63  }
0x84: {  	s6 =	spop (v2sf);
	s1 =	sadd.s32 $0x3E00, s1;
	s17 =	sadd.s32 $0x780, s8  }
0x85: {  	[hbm4b:s17+s4] =	stream.linear.scatter [tilespmem:s1], [sflag:$0x1], $0x80, $0x38;
	[tilespmem:$0x4200] =	vst v63  }
0x86: {  	s10 =	sshll.u32 s6, $0xB;
	s1 =	sshll.u32 s6, $0x7  }
0x87: {  	s2 =	sand.u32 $0xFFFFC000, s10;
	s1 =	sand.u32 $0x380, s1  }
0x88: {  	s1 =	sor.u32 s1, s2  }
0x89: {  	s2 =	sadd.s32 $0x200, s1  }
0x8a: {  	[hbm4b:s9+s4] =	stream.linear.scatter [tilespmem:s2], [sflag:$0x1], $0x80, $0x38;
	[tilespmem:$0x4200] =	vst v63  }
0x8b: {  	s12 =	sadd.s32 $0x80, s9;
	s11 =	sadd.s32 $0x600, s1  }
0x8c: {  	[hbm4b:s12+s4] =	stream.linear.scatter [tilespmem:s11], [sflag:$0x1], $0x80, $0x38;
	[tilespmem:$0x4200] =	vst v63  }
0x8d: {  	s15 =	sadd.s32 $0x100, s9;
	s14 =	sadd.s32 $0xA00, s1  }
0x8e: {  	[hbm4b:s15+s4] =	stream.linear.scatter [tilespmem:s14], [sflag:$0x1], $0x80, $0x38;
	[tilespmem:$0x4200] =	vst v63  }
0x8f: {  	s17 =	sadd.s32 $0x180, s9;
	s16 =	sadd.s32 $0xE00, s1  }
0x90: {  	[hbm4b:s17+s4] =	stream.linear.scatter [tilespmem:s16], [sflag:$0x1], $0x80, $0x38;
	[tilespmem:$0x4200] =	vst v63  }
0x91: {  	s10 =	sadd.s32 $0x200, s9;
	s6 =	sadd.s32 $0x1200, s1  }
0x92: {  	[hbm4b:s10+s4] =	stream.linear.scatter [tilespmem:s6], [sflag:$0x1], $0x80, $0x38;
	[tilespmem:$0x4200] =	vst v63  }
0x93: {  	s11 =	sadd.s32 $0x1600, s1;
	s12 =	sadd.s32 $0x280, s9  }
0x94: {  	[hbm4b:s12+s4] =	stream.linear.scatter [tilespmem:s11], [sflag:$0x1], $0x80, $0x38;
	[tilespmem:$0x4200] =	vst v63  }
0x95: {  	s14 =	sadd.s32 $0x1A00, s1;
	s15 =	sadd.s32 $0x300, s9  }
0x96: {  	[hbm4b:s15+s4] =	stream.linear.scatter [tilespmem:s14], [sflag:$0x1], $0x80, $0x38;
	[tilespmem:$0x4200] =	vst v63  }
0x97: {  	s16 =	sadd.s32 $0x1E00, s1;
	s17 =	sadd.s32 $0x380, s9  }
0x98: {  	[hbm4b:s17+s4] =	stream.linear.scatter [tilespmem:s16], [sflag:$0x1], $0x80, $0x38;
	[tilespmem:$0x4200] =	vst v63  }
0x99: {  	s6 =	sadd.s32 $0x2200, s1;
	s10 =	sadd.s32 $0x400, s9  }
0x9a: {  	[hbm4b:s10+s4] =	stream.linear.scatter [tilespmem:s6], [sflag:$0x1], $0x80, $0x38;
	[tilespmem:$0x4200] =	vst v63  }
0x9b: {  	s11 =	sadd.s32 $0x2600, s1;
	s12 =	sadd.s32 $0x480, s9  }
0x9c: {  	[hbm4b:s12+s4] =	stream.linear.scatter [tilespmem:s11], [sflag:$0x1], $0x80, $0x38;
	[tilespmem:$0x4200] =	vst v63  }
0x9d: {  	s14 =	sadd.s32 $0x2A00, s1;
	s15 =	sadd.s32 $0x500, s9  }
0x9e: {  	[hbm4b:s15+s4] =	stream.linear.scatter [tilespmem:s14], [sflag:$0x1], $0x80, $0x38;
	[tilespmem:$0x4200] =	vst v63  }
0x9f: {  	s16 =	sadd.s32 $0x2E00, s1;
	s17 =	sadd.s32 $0x580, s9  }
0xa0: {  	[hbm4b:s17+s4] =	stream.linear.scatter [tilespmem:s16], [sflag:$0x1], $0x80, $0x38;
	[tilespmem:$0x4200] =	vst v63  }
0xa1: {  	s10 =	sadd.s32 $0x3200, s1;
	s11 =	sadd.s32 $0x600, s9  }
0xa2: {  	[hbm4b:s11+s4] =	stream.linear.scatter [tilespmem:s10], [sflag:$0x1], $0x80, $0x38;
	[tilespmem:$0x4200] =	vst v63  }
0xa3: {  	s12 =	sadd.s32 $0x3600, s1;
	s14 =	sadd.s32 $0x680, s9  }
0xa4: {  	[hbm4b:s14+s4] =	stream.linear.scatter [tilespmem:s12], [sflag:$0x1], $0x80, $0x38;
	[tilespmem:$0x4200] =	vst v63  }
0xa5: {  	s15 =	sadd.s32 $0x3A00, s1;
	s16 =	sadd.s32 $0x700, s9  }
0xa6: {  	[hbm4b:s16+s4] =	stream.linear.scatter [tilespmem:s15], [sflag:$0x1], $0x80, $0x38;
	[tilespmem:$0x4200] =	vst v63  }
0xa7: {  	s30 =	simm.s32 $0x4;
	s1 =	sadd.s32 $0x3E00, s1;
	s17 =	sadd.s32 $0x780, s9  }
0xa8: {  	[hbm4b:s17+s4] =	stream.linear.scatter [tilespmem:s1], [sflag:$0x1], $0x80, $0x38;
	[tilespmem:$0x4200] =	vst v63  }
0xa9: {  	v63 =	vld.msk [tilespmem:s30+$0x0], $0xf;
	_ =	sdelay $0x4  }
0xaa: {  	(v2sf) =	vpush v63, $0x0;
	_ =	sdelay $0xe  }
0xab: {  	s6 =	spop (v2sf)  }
0xac: {  	s10 =	simm.s32 $0x40;
	s11 =	sshll.u32 s6, $0xB;
	s1 =	sshll.u32 s6, $0x7  }
0xad: {  	s2 =	sand.u32 $0x40, s10;
	s6 =	sand.u32 $0xFFFFC000, s11;
	s1 =	sand.u32 $0x380, s1  }
0xae: {  	s10 =	sand.u32 $0x7FF800, s0;
	s12 =	sadd.s32 s3, s2;
	s6 =	sor.u32 s1, s6  }
0xaf: {  	s1 =	sadd.s32 s10, s12;
	s14 =	sadd.s32 $0x200, s6  }
0xb0: {  	[hbm4b:s1+s4] =	stream.linear.scatter [tilespmem:s14], [sflag:$0x1], $0x80, $0x38;
	[tilespmem:$0x4200] =	vst v63  }
0xb1: {  	s15 =	sadd.s32 $0x600, s6;
	s10 =	sadd.s32 $0x80, s1  }
0xb2: {  	[hbm4b:s10+s4] =	stream.linear.scatter [tilespmem:s15], [sflag:$0x1], $0x80, $0x38;
	[tilespmem:$0x4200] =	vst v63  }
0xb3: {  	s16 =	sadd.s32 $0xA00, s6;
	s17 =	sadd.s32 $0x100, s1  }
0xb4: {  	(v2sf) =	vpush v63, $0x1;
	[hbm4b:s17+s4] =	stream.linear.scatter [tilespmem:s16], [sflag:$0x1], $0x80, $0x38;
	[tilespmem:$0x4200] =	vst v63  }
0xb5: {  	s11 =	sadd.s32 $0xE00, s6;
	s12 =	sadd.s32 $0x180, s1  }
0xb6: {  	[hbm4b:s12+s4] =	stream.linear.scatter [tilespmem:s11], [sflag:$0x1], $0x80, $0x38;
	[tilespmem:$0x4200] =	vst v63  }
0xb7: {  	s14 =	sadd.s32 $0x1200, s6;
	s15 =	sadd.s32 $0x200, s1  }
0xb8: {  	[hbm4b:s15+s4] =	stream.linear.scatter [tilespmem:s14], [sflag:$0x1], $0x80, $0x38;
	[tilespmem:$0x4200] =	vst v63  }
0xb9: {  	s16 =	sadd.s32 $0x1600, s6;
	s17 =	sadd.s32 $0x280, s1  }
0xba: {  	[hbm4b:s17+s4] =	stream.linear.scatter [tilespmem:s16], [sflag:$0x1], $0x80, $0x38;
	[tilespmem:$0x4200] =	vst v63  }
0xbb: {  	s11 =	sadd.s32 $0x1A00, s6;
	s12 =	sadd.s32 $0x300, s1  }
0xbc: {  	[hbm4b:s12+s4] =	stream.linear.scatter [tilespmem:s11], [sflag:$0x1], $0x80, $0x38;
	[tilespmem:$0x4200] =	vst v63  }
0xbd: {  	s14 =	sadd.s32 $0x1E00, s6;
	s15 =	sadd.s32 $0x380, s1  }
0xbe: {  	[hbm4b:s15+s4] =	stream.linear.scatter [tilespmem:s14], [sflag:$0x1], $0x80, $0x38;
	[tilespmem:$0x4200] =	vst v63  }
0xbf: {  	s16 =	sadd.s32 $0x2200, s6;
	s17 =	sadd.s32 $0x400, s1  }
0xc0: {  	[hbm4b:s17+s4] =	stream.linear.scatter [tilespmem:s16], [sflag:$0x1], $0x80, $0x38;
	[tilespmem:$0x4200] =	vst v63  }
0xc1: {  	s11 =	sadd.s32 $0x2600, s6;
	s12 =	sadd.s32 $0x480, s1  }
0xc2: {  	[hbm4b:s12+s4] =	stream.linear.scatter [tilespmem:s11], [sflag:$0x1], $0x80, $0x38;
	[tilespmem:$0x4200] =	vst v63  }
0xc3: {  	s10 =	spop (v2sf);
	s14 =	sadd.s32 $0x2A00, s6;
	s15 =	sadd.s32 $0x500, s1  }
0xc4: {  	[hbm4b:s15+s4] =	stream.linear.scatter [tilespmem:s14], [sflag:$0x1], $0x80, $0x38;
	[tilespmem:$0x4200] =	vst v63  }
0xc5: {  	s2 =	sshll.u32 s10, $0xB;
	s16 =	sadd.s32 $0x2E00, s6;
	s17 =	sadd.s32 $0x580, s1  }
0xc6: {  	[hbm4b:s17+s4] =	stream.linear.scatter [tilespmem:s16], [sflag:$0x1], $0x80, $0x38;
	[tilespmem:$0x4200] =	vst v63  }
0xc7: {  	s2 =	sand.u32 $0xFFFFC000, s2;
	s11 =	sadd.s32 $0x3200, s6;
	s12 =	sadd.s32 $0x600, s1  }
0xc8: {  	[hbm4b:s12+s4] =	stream.linear.scatter [tilespmem:s11], [sflag:$0x1], $0x80, $0x38;
	[tilespmem:$0x4200] =	vst v63  }
0xc9: {  	s14 =	sadd.s32 $0x3600, s6;
	s15 =	sadd.s32 $0x680, s1;
	s11 =	sshll.u32 s10, $0x7  }
0xca: {  	[hbm4b:s15+s4] =	stream.linear.scatter [tilespmem:s14], [sflag:$0x1], $0x80, $0x38;
	[tilespmem:$0x4200] =	vst v63  }
0xcb: {  	s16 =	sadd.s32 $0x3A00, s6;
	s17 =	sadd.s32 $0x700, s1;
	s10 =	sand.u32 $0x380, s11  }
0xcc: {  	[hbm4b:s17+s4] =	stream.linear.scatter [tilespmem:s16], [sflag:$0x1], $0x80, $0x38;
	[tilespmem:$0x4200] =	vst v63  }
0xcd: {  	s6 =	sadd.s32 $0x3E00, s6;
	s12 =	sadd.s32 $0x780, s1;
	s2 =	sor.u32 s10, s2  }
0xce: {  	[hbm4b:s12+s4] =	stream.linear.scatter [tilespmem:s6], [sflag:$0x1], $0x80, $0x38;
	[tilespmem:$0x4200] =	vst v63  }
0xcf: {  	s15 =	sadd.s32 $0x10, s1;
	s14 =	sadd.s32 $0x200, s2  }
0xd0: {  	[hbm4b:s15+s4] =	stream.linear.scatter [tilespmem:s14], [sflag:$0x1], $0x80, $0x38;
	[tilespmem:$0x4200] =	vst v63  }
0xd1: {  	s16 =	sadd.s32 $0x600, s2;
	s17 =	sadd.s32 $0x90, s1  }
0xd2: {  	[hbm4b:s17+s4] =	stream.linear.scatter [tilespmem:s16], [sflag:$0x1], $0x80, $0x38;
	[tilespmem:$0x4200] =	vst v63  }
0xd3: {  	s11 =	sadd.s32 $0xA00, s2;
	s12 =	sadd.s32 $0x110, s1  }
0xd4: {  	[hbm4b:s12+s4] =	stream.linear.scatter [tilespmem:s11], [sflag:$0x1], $0x80, $0x38;
	[tilespmem:$0x4200] =	vst v63  }
0xd5: {  	s14 =	sadd.s32 $0xE00, s2;
	s15 =	sadd.s32 $0x190, s1  }
0xd6: {  	[hbm4b:s15+s4] =	stream.linear.scatter [tilespmem:s14], [sflag:$0x1], $0x80, $0x38;
	[tilespmem:$0x4200] =	vst v63  }
0xd7: {  	s16 =	sadd.s32 $0x1200, s2;
	s17 =	sadd.s32 $0x210, s1  }
0xd8: {  	[hbm4b:s17+s4] =	stream.linear.scatter [tilespmem:s16], [sflag:$0x1], $0x80, $0x38;
	[tilespmem:$0x4200] =	vst v63  }
0xd9: {  	s11 =	sadd.s32 $0x1600, s2;
	s12 =	sadd.s32 $0x290, s1  }
0xda: {  	(v2sf) =	vpush v63, $0x2;
	[hbm4b:s12+s4] =	stream.linear.scatter [tilespmem:s11], [sflag:$0x1], $0x80, $0x38;
	[tilespmem:$0x4200] =	vst v63  }
0xdb: {  	s14 =	sadd.s32 $0x1A00, s2;
	s15 =	sadd.s32 $0x310, s1  }
0xdc: {  	[hbm4b:s15+s4] =	stream.linear.scatter [tilespmem:s14], [sflag:$0x1], $0x80, $0x38;
	[tilespmem:$0x4200] =	vst v63  }
0xdd: {  	s16 =	sadd.s32 $0x1E00, s2;
	s17 =	sadd.s32 $0x390, s1  }
0xde: {  	[hbm4b:s17+s4] =	stream.linear.scatter [tilespmem:s16], [sflag:$0x1], $0x80, $0x38;
	[tilespmem:$0x4200] =	vst v63  }
0xdf: {  	s11 =	sadd.s32 $0x2200, s2;
	s12 =	sadd.s32 $0x410, s1  }
0xe0: {  	[hbm4b:s12+s4] =	stream.linear.scatter [tilespmem:s11], [sflag:$0x1], $0x80, $0x38;
	[tilespmem:$0x4200] =	vst v63  }
0xe1: {  	s14 =	sadd.s32 $0x2600, s2;
	s15 =	sadd.s32 $0x490, s1  }
0xe2: {  	[hbm4b:s15+s4] =	stream.linear.scatter [tilespmem:s14], [sflag:$0x1], $0x80, $0x38;
	[tilespmem:$0x4200] =	vst v63  }
0xe3: {  	s16 =	sadd.s32 $0x2A00, s2;
	s17 =	sadd.s32 $0x510, s1  }
0xe4: {  	[hbm4b:s17+s4] =	stream.linear.scatter [tilespmem:s16], [sflag:$0x1], $0x80, $0x38;
	[tilespmem:$0x4200] =	vst v63  }
0xe5: {  	s11 =	sadd.s32 $0x2E00, s2;
	s12 =	sadd.s32 $0x590, s1  }
0xe6: {  	[hbm4b:s12+s4] =	stream.linear.scatter [tilespmem:s11], [sflag:$0x1], $0x80, $0x38;
	[tilespmem:$0x4200] =	vst v63  }
0xe7: {  	s10 =	sadd.s32 $0x3A00, s2;
	s14 =	sadd.s32 $0x3200, s2;
	s15 =	sadd.s32 $0x610, s1  }
0xe8: {  	[hbm4b:s15+s4] =	stream.linear.scatter [tilespmem:s14], [sflag:$0x1], $0x80, $0x38;
	[tilespmem:$0x4200] =	vst v63  }
0xe9: {  	s16 =	sadd.s32 $0x3600, s2;
	s17 =	sadd.s32 $0x690, s1;
	s12 =	spop (v2sf)  }
0xea: {  	[hbm4b:s17+s4] =	stream.linear.scatter [tilespmem:s16], [sflag:$0x1], $0x80, $0x38;
	[tilespmem:$0x4200] =	vst v63  }
0xeb: {  	s11 =	sadd.s32 $0x710, s1;
	s6 =	sshll.u32 s12, $0x7;
	s14 =	sshll.u32 s12, $0xB  }
0xec: {  	[hbm4b:s11+s4] =	stream.linear.scatter [tilespmem:s10], [sflag:$0x1], $0x80, $0x38;
	[tilespmem:$0x4200] =	vst v63  }
0xed: {  	s6 =	sand.u32 $0x380, s6;
	s10 =	sand.u32 $0xFFFFC000, s14  }
0xee: {  	s2 =	sadd.s32 $0x3E00, s2;
	s15 =	sadd.s32 $0x790, s1;
	s6 =	sor.u32 s6, s10  }
0xef: {  	[hbm4b:s15+s4] =	stream.linear.scatter [tilespmem:s2], [sflag:$0x1], $0x80, $0x38;
	[tilespmem:$0x4200] =	vst v63  }
0xf0: {  	s17 =	sadd.s32 $0x20, s1;
	s16 =	sadd.s32 $0x200, s6  }
0xf1: {  	[hbm4b:s17+s4] =	stream.linear.scatter [tilespmem:s16], [sflag:$0x1], $0x80, $0x38;
	[tilespmem:$0x4200] =	vst v63  }
0xf2: {  	s12 =	sadd.s32 $0xA0, s1;
	s11 =	sadd.s32 $0x600, s6  }
0xf3: {  	[hbm4b:s12+s4] =	stream.linear.scatter [tilespmem:s11], [sflag:$0x1], $0x80, $0x38;
	[tilespmem:$0x4200] =	vst v63  }
0xf4: {  	s14 =	sadd.s32 $0xA00, s6;
	s15 =	sadd.s32 $0x120, s1  }
0xf5: {  	[hbm4b:s15+s4] =	stream.linear.scatter [tilespmem:s14], [sflag:$0x1], $0x80, $0x38;
	[tilespmem:$0x4200] =	vst v63  }
0xf6: {  	s16 =	sadd.s32 $0xE00, s6;
	s17 =	sadd.s32 $0x1A0, s1  }
0xf7: {  	[hbm4b:s17+s4] =	stream.linear.scatter [tilespmem:s16], [sflag:$0x1], $0x80, $0x38;
	[tilespmem:$0x4200] =	vst v63  }
0xf8: {  	s11 =	sadd.s32 $0x1200, s6;
	s12 =	sadd.s32 $0x220, s1  }
0xf9: {  	(v2sf) =	vpush v63, $0x3;
	[hbm4b:s12+s4] =	stream.linear.scatter [tilespmem:s11], [sflag:$0x1], $0x80, $0x38;
	[tilespmem:$0x4200] =	vst v63  }
0xfa: {  	s14 =	sadd.s32 $0x1600, s6;
	s15 =	sadd.s32 $0x2A0, s1  }
0xfb: {  	[hbm4b:s15+s4] =	stream.linear.scatter [tilespmem:s14], [sflag:$0x1], $0x80, $0x38;
	[tilespmem:$0x4200] =	vst v63  }
0xfc: {  	s16 =	sadd.s32 $0x1A00, s6;
	s17 =	sadd.s32 $0x320, s1  }
0xfd: {  	[hbm4b:s17+s4] =	stream.linear.scatter [tilespmem:s16], [sflag:$0x1], $0x80, $0x38;
	[tilespmem:$0x4200] =	vst v63  }
0xfe: {  	s11 =	sadd.s32 $0x1E00, s6;
	s12 =	sadd.s32 $0x3A0, s1  }
0xff: {  	[hbm4b:s12+s4] =	stream.linear.scatter [tilespmem:s11], [sflag:$0x1], $0x80, $0x38;
	[tilespmem:$0x4200] =	vst v63  }
0x100: {  	s14 =	sadd.s32 $0x2200, s6;
	s15 =	sadd.s32 $0x420, s1  }
0x101: {  	[hbm4b:s15+s4] =	stream.linear.scatter [tilespmem:s14], [sflag:$0x1], $0x80, $0x38;
	[tilespmem:$0x4200] =	vst v63  }
0x102: {  	s16 =	sadd.s32 $0x2600, s6;
	s17 =	sadd.s32 $0x4A0, s1  }
0x103: {  	[hbm4b:s17+s4] =	stream.linear.scatter [tilespmem:s16], [sflag:$0x1], $0x80, $0x38;
	[tilespmem:$0x4200] =	vst v63  }
0x104: {  	s10 =	sadd.s32 $0x3600, s6;
	s11 =	sadd.s32 $0x2A00, s6;
	s12 =	sadd.s32 $0x520, s1  }
0x105: {  	[hbm4b:s12+s4] =	stream.linear.scatter [tilespmem:s11], [sflag:$0x1], $0x80, $0x38;
	[tilespmem:$0x4200] =	vst v63  }
0x106: {  	s14 =	sadd.s32 $0x2E00, s6;
	s15 =	sadd.s32 $0x5A0, s1;
	s16 =	sadd.s32 $0x3200, s6  }
0x107: {  	[hbm4b:s15+s4] =	stream.linear.scatter [tilespmem:s14], [sflag:$0x1], $0x80, $0x38;
	[tilespmem:$0x4200] =	vst v63  }
0x108: {  	s17 =	sadd.s32 $0x620, s1;
	s11 =	sadd.s32 $0x6A0, s1;
	s15 =	spop (v2sf)  }
0x109: {  	[hbm4b:s17+s4] =	stream.linear.scatter [tilespmem:s16], [sflag:$0x1], $0x80, $0x38;
	[tilespmem:$0x4200] =	vst v63  }
0x10a: {  	s12 =	sadd.s32 $0x3A00, s6;
	s2 =	sshll.u32 s15, $0x7;
	s16 =	sshll.u32 s15, $0xB  }
0x10b: {  	[hbm4b:s11+s4] =	stream.linear.scatter [tilespmem:s10], [sflag:$0x1], $0x80, $0x38;
	[tilespmem:$0x4200] =	vst v63  }
0x10c: {  	s14 =	sadd.s32 $0x720, s1;
	s2 =	sand.u32 $0x380, s2;
	s10 =	sand.u32 $0xFFFFC000, s16  }
0x10d: {  	[hbm4b:s14+s4] =	stream.linear.scatter [tilespmem:s12], [sflag:$0x1], $0x80, $0x38;
	[tilespmem:$0x4200] =	vst v63  }
0x10e: {  	s6 =	sadd.s32 $0x3E00, s6;
	s17 =	sadd.s32 $0x7A0, s1;
	s2 =	sor.u32 s2, s10  }
0x10f: {  	[hbm4b:s17+s4] =	stream.linear.scatter [tilespmem:s6], [sflag:$0x1], $0x80, $0x38;
	[tilespmem:$0x4200] =	vst v63  }
0x110: {  	s11 =	sadd.s32 $0x200, s2;
	s12 =	sadd.s32 $0x30, s1  }
0x111: {  	[hbm4b:s12+s4] =	stream.linear.scatter [tilespmem:s11], [sflag:$0x1], $0x80, $0x38;
	[tilespmem:$0x4200] =	vst v63  }
0x112: {  	s15 =	sadd.s32 $0xB0, s1;
	s14 =	sadd.s32 $0x600, s2  }
0x113: {  	[hbm4b:s15+s4] =	stream.linear.scatter [tilespmem:s14], [sflag:$0x1], $0x80, $0x38;
	[tilespmem:$0x4200] =	vst v63  }
0x114: {  	s16 =	sadd.s32 $0xA00, s2;
	s17 =	sadd.s32 $0x130, s1  }
0x115: {  	[hbm4b:s17+s4] =	stream.linear.scatter [tilespmem:s16], [sflag:$0x1], $0x80, $0x38;
	[tilespmem:$0x4200] =	vst v63  }
0x116: {  	s11 =	sadd.s32 $0xE00, s2;
	s12 =	sadd.s32 $0x1B0, s1  }
0x117: {  	[hbm4b:s12+s4] =	stream.linear.scatter [tilespmem:s11], [sflag:$0x1], $0x80, $0x38;
	[tilespmem:$0x4200] =	vst v63  }
0x118: {  	s14 =	sadd.s32 $0x1200, s2;
	s15 =	sadd.s32 $0x230, s1  }
0x119: {  	[hbm4b:s15+s4] =	stream.linear.scatter [tilespmem:s14], [sflag:$0x1], $0x80, $0x38;
	[tilespmem:$0x4200] =	vst v63  }
0x11a: {  	s16 =	sadd.s32 $0x1600, s2;
	s17 =	sadd.s32 $0x2B0, s1  }
0x11b: {  	[hbm4b:s17+s4] =	stream.linear.scatter [tilespmem:s16], [sflag:$0x1], $0x80, $0x38;
	[tilespmem:$0x4200] =	vst v63  }
0x11c: {  	s11 =	sadd.s32 $0x1A00, s2;
	s12 =	sadd.s32 $0x330, s1  }
0x11d: {  	[hbm4b:s12+s4] =	stream.linear.scatter [tilespmem:s11], [sflag:$0x1], $0x80, $0x38;
	[tilespmem:$0x4200] =	vst v63  }
0x11e: {  	s14 =	sadd.s32 $0x1E00, s2;
	s15 =	sadd.s32 $0x3B0, s1  }
0x11f: {  	[hbm4b:s15+s4] =	stream.linear.scatter [tilespmem:s14], [sflag:$0x1], $0x80, $0x38;
	[tilespmem:$0x4200] =	vst v63  }
0x120: {  	s16 =	sadd.s32 $0x2200, s2;
	s17 =	sadd.s32 $0x430, s1  }
0x121: {  	[hbm4b:s17+s4] =	stream.linear.scatter [tilespmem:s16], [sflag:$0x1], $0x80, $0x38;
	[tilespmem:$0x4200] =	vst v63  }
0x122: {  	s11 =	sadd.s32 $0x2600, s2;
	s12 =	sadd.s32 $0x4B0, s1  }
0x123: {  	[hbm4b:s12+s4] =	stream.linear.scatter [tilespmem:s11], [sflag:$0x1], $0x80, $0x38;
	[tilespmem:$0x4200] =	vst v63  }
0x124: {  	s14 =	sadd.s32 $0x2A00, s2;
	s15 =	sadd.s32 $0x530, s1  }
0x125: {  	[hbm4b:s15+s4] =	stream.linear.scatter [tilespmem:s14], [sflag:$0x1], $0x80, $0x38;
	[tilespmem:$0x4200] =	vst v63  }
0x126: {  	s16 =	sadd.s32 $0x2E00, s2;
	s17 =	sadd.s32 $0x5B0, s1  }
0x127: {  	[hbm4b:s17+s4] =	stream.linear.scatter [tilespmem:s16], [sflag:$0x1], $0x80, $0x38;
	[tilespmem:$0x4200] =	vst v63  }
0x128: {  	s11 =	sadd.s32 $0x3200, s2;
	s12 =	sadd.s32 $0x630, s1  }
0x129: {  	[hbm4b:s12+s4] =	stream.linear.scatter [tilespmem:s11], [sflag:$0x1], $0x80, $0x38;
	[tilespmem:$0x4200] =	vst v63  }
0x12a: {  	s14 =	sadd.s32 $0x3600, s2;
	s15 =	sadd.s32 $0x6B0, s1  }
0x12b: {  	[hbm4b:s15+s4] =	stream.linear.scatter [tilespmem:s14], [sflag:$0x1], $0x80, $0x38;
	[tilespmem:$0x4200] =	vst v63  }
0x12c: {  	s16 =	sadd.s32 $0x3A00, s2;
	s17 =	sadd.s32 $0x730, s1  }
0x12d: {  	[hbm4b:s17+s4] =	stream.linear.scatter [tilespmem:s16], [sflag:$0x1], $0x80, $0x38;
	[tilespmem:$0x4200] =	vst v63  }
0x12e: {  	s2 =	sadd.s32 $0x3E00, s2;
	s1 =	sadd.s32 $0x7B0, s1  }
0x12f: {  	[hbm4b:s1+s4] =	stream.linear.scatter [tilespmem:s2], [sflag:$0x1], $0x80, $0x38;
	[tilespmem:$0x4200] =	vst v63  }
0x130: {  	_ =	swait.ge [sflag:s28], $0x400  }
0x131: {  	s31 =	simm.s32 $0x80;
	s11 =	smov.u32 s0;
	[sflag:s28] =	ssyncset.done $0x0  }
.LBB2_2:
0x132: {  	[sflag:s28] =	ssyncadd.s32 $0xFFFFFC00;
	s30 =	sadd.s32 $0x4, s30;
	s11 =	sadd.s32 $0x400, s11  }
0x133: {  	p0 =	sne.s32 s31, $0x1FC0;
	s1 =	smov.u32 s31;
	s31 =	sadd.s32 $0x40, s31  }
0x134: {  	v0 =	vld.msk [tilespmem:s30+$0x0], $0xf;
	_ =	sdelay $0x4  }
0x135: {  	(v2sf) =	vpush v0, $0x0  }
0x136: {  	(v2sf) =	vpush v0, $0x1;
	_ =	sdelay $0x8  }
0x137: {  	(v2sf) =	vpush v0, $0x2;
	_ =	sdelay $0x4  }
0x138: {  	s2 =	sand.u32 $0x7FF800, s11;
	s1 =	sand.u32 $0x40, s1;
	s6 =	spop (v2sf)  }
0x139: {  	s10 =	sshll.u32 s6, $0xB;
	s6 =	sshll.u32 s6, $0x7;
	s12 =	spop (v2sf)  }
0x13a: {  	s10 =	sand.u32 $0xFFFFC000, s10;
	s6 =	sand.u32 $0x380, s6;
	s14 =	sshll.u32 s12, $0x7  }
0x13b: {  	s1 =	sadd.s32 s3, s1;
	s10 =	sor.u32 s6, s10;
	s6 =	sand.u32 $0x380, s14  }
0x13c: {  	s1 =	sadd.s32 s2, s1;
	s2 =	sshll.u32 s12, $0xB;
	s14 =	sadd.s32 $0x200, s10  }
0x13d: {  	[hbm4b:s1+s4] =	stream.linear.scatter [tilespmem:s14], [sflag:$0x1], $0x80, $0x38;
	[tilespmem:$0x4200] =	vst v63  }
0x13e: {  	s2 =	sand.u32 $0xFFFFC000, s2;
	s12 =	sadd.s32 $0x600, s10;
	s14 =	sadd.s32 $0x80, s1  }
0x13f: {  	[hbm4b:s14+s4] =	stream.linear.scatter [tilespmem:s12], [sflag:$0x1], $0x80, $0x38;
	(v2sf) =	vpush v0, $0x3;
	[tilespmem:$0x4200] =	vst v63  }
0x140: {  	s6 =	sor.u32 s6, s2;
	s12 =	sadd.s32 $0xA00, s10;
	s14 =	sadd.s32 $0x100, s1  }
0x141: {  	[hbm4b:s14+s4] =	stream.linear.scatter [tilespmem:s12], [sflag:$0x1], $0x80, $0x38;
	[tilespmem:$0x4200] =	vst v63  }
0x142: {  	s2 =	sadd.s32 $0xE00, s10;
	s12 =	sadd.s32 $0x180, s1;
	s14 =	spop (v2sf)  }
0x143: {  	[hbm4b:s12+s4] =	stream.linear.scatter [tilespmem:s2], [sflag:$0x1], $0x80, $0x38;
	[tilespmem:$0x4200] =	vst v63  }
0x144: {  	s2 =	sadd.s32 $0x1200, s10;
	s12 =	sadd.s32 $0x200, s1;
	s15 =	sshll.u32 s14, $0xB  }
0x145: {  	[hbm4b:s12+s4] =	stream.linear.scatter [tilespmem:s2], [sflag:$0x1], $0x80, $0x38;
	[tilespmem:$0x4200] =	vst v63  }
0x146: {  	s14 =	sshll.u32 s14, $0x7;
	s2 =	sadd.s32 $0x1600, s10;
	s12 =	sadd.s32 $0x280, s1  }
0x147: {  	[hbm4b:s12+s4] =	stream.linear.scatter [tilespmem:s2], [sflag:$0x1], $0x80, $0x38;
	[tilespmem:$0x4200] =	vst v63  }
0x148: {  	s15 =	sand.u32 $0xFFFFC000, s15;
	s2 =	sadd.s32 $0x1A00, s10;
	s12 =	sadd.s32 $0x300, s1  }
0x149: {  	[hbm4b:s12+s4] =	stream.linear.scatter [tilespmem:s2], [sflag:$0x1], $0x80, $0x38;
	[tilespmem:$0x4200] =	vst v63  }
0x14a: {  	s14 =	sand.u32 $0x380, s14;
	s2 =	sadd.s32 $0x1E00, s10;
	s12 =	sadd.s32 $0x380, s1  }
0x14b: {  	[hbm4b:s12+s4] =	stream.linear.scatter [tilespmem:s2], [sflag:$0x1], $0x80, $0x38;
	[tilespmem:$0x4200] =	vst v63  }
0x14c: {  	s16 =	sadd.s32 $0x400, s1;
	s2 =	sadd.s32 $0x2200, s10;
	s12 =	sor.u32 s14, s15  }
0x14d: {  	[hbm4b:s16+s4] =	stream.linear.scatter [tilespmem:s2], [sflag:$0x1], $0x80, $0x38;
	[tilespmem:$0x4200] =	vst v63  }
0x14e: {  	s14 =	sadd.s32 $0x480, s1;
	s2 =	sadd.s32 $0x2600, s10;
	s15 =	spop (v2sf)  }
0x14f: {  	[hbm4b:s14+s4] =	stream.linear.scatter [tilespmem:s2], [sflag:$0x1], $0x80, $0x38;
	[tilespmem:$0x4200] =	vst v63  }
0x150: {  	s2 =	sadd.s32 $0x2A00, s10;
	s14 =	sadd.s32 $0x500, s1;
	s16 =	sshll.u32 s15, $0xB  }
0x151: {  	[hbm4b:s14+s4] =	stream.linear.scatter [tilespmem:s2], [sflag:$0x1], $0x80, $0x38;
	[tilespmem:$0x4200] =	vst v63  }
0x152: {  	s15 =	sshll.u32 s15, $0x7;
	s2 =	sadd.s32 $0x2E00, s10;
	s14 =	sadd.s32 $0x580, s1  }
0x153: {  	[hbm4b:s14+s4] =	stream.linear.scatter [tilespmem:s2], [sflag:$0x1], $0x80, $0x38;
	[tilespmem:$0x4200] =	vst v63  }
0x154: {  	s16 =	sand.u32 $0xFFFFC000, s16;
	s2 =	sadd.s32 $0x3200, s10;
	s14 =	sadd.s32 $0x600, s1  }
0x155: {  	[hbm4b:s14+s4] =	stream.linear.scatter [tilespmem:s2], [sflag:$0x1], $0x80, $0x38;
	[tilespmem:$0x4200] =	vst v63  }
0x156: {  	s15 =	sand.u32 $0x380, s15;
	s2 =	sadd.s32 $0x3600, s10;
	s14 =	sadd.s32 $0x680, s1  }
0x157: {  	[hbm4b:s14+s4] =	stream.linear.scatter [tilespmem:s2], [sflag:$0x1], $0x80, $0x38;
	[tilespmem:$0x4200] =	vst v63  }
0x158: {  	s17 =	sadd.s32 $0x700, s1;
	s14 =	sadd.s32 $0x3A00, s10;
	s2 =	sor.u32 s15, s16  }
0x159: {  	[hbm4b:s17+s4] =	stream.linear.scatter [tilespmem:s14], [sflag:$0x1], $0x80, $0x38;
	[tilespmem:$0x4200] =	vst v63  }
0x15a: {  	s10 =	sadd.s32 $0x3E00, s10;
	s14 =	sadd.s32 $0x780, s1  }
0x15b: {  	[hbm4b:s14+s4] =	stream.linear.scatter [tilespmem:s10], [sflag:$0x1], $0x80, $0x38;
	[tilespmem:$0x4200] =	vst v63  }
0x15c: {  	s10 =	sadd.s32 $0x200, s6;
	s14 =	sadd.s32 $0x10, s1  }
0x15d: {  	[hbm4b:s14+s4] =	stream.linear.scatter [tilespmem:s10], [sflag:$0x1], $0x80, $0x38;
	[tilespmem:$0x4200] =	vst v63  }
0x15e: {  	s10 =	sadd.s32 $0x600, s6;
	s14 =	sadd.s32 $0x90, s1  }
0x15f: {  	[hbm4b:s14+s4] =	stream.linear.scatter [tilespmem:s10], [sflag:$0x1], $0x80, $0x38;
	[tilespmem:$0x4200] =	vst v63  }
0x160: {  	s10 =	sadd.s32 $0xA00, s6;
	s14 =	sadd.s32 $0x110, s1  }
0x161: {  	[hbm4b:s14+s4] =	stream.linear.scatter [tilespmem:s10], [sflag:$0x1], $0x80, $0x38;
	[tilespmem:$0x4200] =	vst v63  }
0x162: {  	s10 =	sadd.s32 $0xE00, s6;
	s14 =	sadd.s32 $0x190, s1  }
0x163: {  	[hbm4b:s14+s4] =	stream.linear.scatter [tilespmem:s10], [sflag:$0x1], $0x80, $0x38;
	[tilespmem:$0x4200] =	vst v63  }
0x164: {  	s10 =	sadd.s32 $0x1200, s6;
	s14 =	sadd.s32 $0x210, s1  }
0x165: {  	[hbm4b:s14+s4] =	stream.linear.scatter [tilespmem:s10], [sflag:$0x1], $0x80, $0x38;
	[tilespmem:$0x4200] =	vst v63  }
0x166: {  	s10 =	sadd.s32 $0x1600, s6;
	s14 =	sadd.s32 $0x290, s1  }
0x167: {  	[hbm4b:s14+s4] =	stream.linear.scatter [tilespmem:s10], [sflag:$0x1], $0x80, $0x38;
	[tilespmem:$0x4200] =	vst v63  }
0x168: {  	s10 =	sadd.s32 $0x1A00, s6;
	s14 =	sadd.s32 $0x310, s1  }
0x169: {  	[hbm4b:s14+s4] =	stream.linear.scatter [tilespmem:s10], [sflag:$0x1], $0x80, $0x38;
	[tilespmem:$0x4200] =	vst v63  }
0x16a: {  	s10 =	sadd.s32 $0x1E00, s6;
	s14 =	sadd.s32 $0x390, s1  }
0x16b: {  	[hbm4b:s14+s4] =	stream.linear.scatter [tilespmem:s10], [sflag:$0x1], $0x80, $0x38;
	[tilespmem:$0x4200] =	vst v63  }
0x16c: {  	s10 =	sadd.s32 $0x2200, s6;
	s14 =	sadd.s32 $0x410, s1  }
0x16d: {  	[hbm4b:s14+s4] =	stream.linear.scatter [tilespmem:s10], [sflag:$0x1], $0x80, $0x38;
	[tilespmem:$0x4200] =	vst v63  }
0x16e: {  	s10 =	sadd.s32 $0x2600, s6;
	s14 =	sadd.s32 $0x490, s1  }
0x16f: {  	[hbm4b:s14+s4] =	stream.linear.scatter [tilespmem:s10], [sflag:$0x1], $0x80, $0x38;
	[tilespmem:$0x4200] =	vst v63  }
0x170: {  	s10 =	sadd.s32 $0x2A00, s6;
	s14 =	sadd.s32 $0x510, s1  }
0x171: {  	[hbm4b:s14+s4] =	stream.linear.scatter [tilespmem:s10], [sflag:$0x1], $0x80, $0x38;
	[tilespmem:$0x4200] =	vst v63  }
0x172: {  	s10 =	sadd.s32 $0x2E00, s6;
	s14 =	sadd.s32 $0x590, s1  }
0x173: {  	[hbm4b:s14+s4] =	stream.linear.scatter [tilespmem:s10], [sflag:$0x1], $0x80, $0x38;
	[tilespmem:$0x4200] =	vst v63  }
0x174: {  	s10 =	sadd.s32 $0x3200, s6;
	s14 =	sadd.s32 $0x610, s1  }
0x175: {  	[hbm4b:s14+s4] =	stream.linear.scatter [tilespmem:s10], [sflag:$0x1], $0x80, $0x38;
	[tilespmem:$0x4200] =	vst v63  }
0x176: {  	s10 =	sadd.s32 $0x3600, s6;
	s14 =	sadd.s32 $0x690, s1  }
0x177: {  	[hbm4b:s14+s4] =	stream.linear.scatter [tilespmem:s10], [sflag:$0x1], $0x80, $0x38;
	[tilespmem:$0x4200] =	vst v63  }
0x178: {  	s10 =	sadd.s32 $0x3A00, s6;
	s14 =	sadd.s32 $0x710, s1  }
0x179: {  	[hbm4b:s14+s4] =	stream.linear.scatter [tilespmem:s10], [sflag:$0x1], $0x80, $0x38;
	[tilespmem:$0x4200] =	vst v63  }
0x17a: {  	s6 =	sadd.s32 $0x3E00, s6;
	s10 =	sadd.s32 $0x790, s1  }
0x17b: {  	[hbm4b:s10+s4] =	stream.linear.scatter [tilespmem:s6], [sflag:$0x1], $0x80, $0x38;
	[tilespmem:$0x4200] =	vst v63  }
0x17c: {  	s6 =	sadd.s32 $0x200, s12;
	s10 =	sadd.s32 $0x20, s1  }
0x17d: {  	[hbm4b:s10+s4] =	stream.linear.scatter [tilespmem:s6], [sflag:$0x1], $0x80, $0x38;
	[tilespmem:$0x4200] =	vst v63  }
0x17e: {  	s6 =	sadd.s32 $0x600, s12;
	s10 =	sadd.s32 $0xA0, s1  }
0x17f: {  	[hbm4b:s10+s4] =	stream.linear.scatter [tilespmem:s6], [sflag:$0x1], $0x80, $0x38;
	[tilespmem:$0x4200] =	vst v63  }
0x180: {  	s6 =	sadd.s32 $0xA00, s12;
	s10 =	sadd.s32 $0x120, s1  }
0x181: {  	[hbm4b:s10+s4] =	stream.linear.scatter [tilespmem:s6], [sflag:$0x1], $0x80, $0x38;
	[tilespmem:$0x4200] =	vst v63  }
0x182: {  	s6 =	sadd.s32 $0xE00, s12;
	s10 =	sadd.s32 $0x1A0, s1  }
0x183: {  	[hbm4b:s10+s4] =	stream.linear.scatter [tilespmem:s6], [sflag:$0x1], $0x80, $0x38;
	[tilespmem:$0x4200] =	vst v63  }
0x184: {  	s6 =	sadd.s32 $0x1200, s12;
	s10 =	sadd.s32 $0x220, s1  }
0x185: {  	[hbm4b:s10+s4] =	stream.linear.scatter [tilespmem:s6], [sflag:$0x1], $0x80, $0x38;
	[tilespmem:$0x4200] =	vst v63  }
0x186: {  	s6 =	sadd.s32 $0x1600, s12;
	s10 =	sadd.s32 $0x2A0, s1  }
0x187: {  	[hbm4b:s10+s4] =	stream.linear.scatter [tilespmem:s6], [sflag:$0x1], $0x80, $0x38;
	[tilespmem:$0x4200] =	vst v63  }
0x188: {  	s6 =	sadd.s32 $0x1A00, s12;
	s10 =	sadd.s32 $0x320, s1  }
0x189: {  	[hbm4b:s10+s4] =	stream.linear.scatter [tilespmem:s6], [sflag:$0x1], $0x80, $0x38;
	[tilespmem:$0x4200] =	vst v63  }
0x18a: {  	s6 =	sadd.s32 $0x1E00, s12;
	s10 =	sadd.s32 $0x3A0, s1  }
0x18b: {  	[hbm4b:s10+s4] =	stream.linear.scatter [tilespmem:s6], [sflag:$0x1], $0x80, $0x38;
	[tilespmem:$0x4200] =	vst v63  }
0x18c: {  	s6 =	sadd.s32 $0x2200, s12;
	s10 =	sadd.s32 $0x420, s1  }
0x18d: {  	[hbm4b:s10+s4] =	stream.linear.scatter [tilespmem:s6], [sflag:$0x1], $0x80, $0x38;
	[tilespmem:$0x4200] =	vst v63  }
0x18e: {  	s6 =	sadd.s32 $0x2600, s12;
	s10 =	sadd.s32 $0x4A0, s1  }
0x18f: {  	[hbm4b:s10+s4] =	stream.linear.scatter [tilespmem:s6], [sflag:$0x1], $0x80, $0x38;
	[tilespmem:$0x4200] =	vst v63  }
0x190: {  	s6 =	sadd.s32 $0x2A00, s12;
	s10 =	sadd.s32 $0x520, s1  }
0x191: {  	[hbm4b:s10+s4] =	stream.linear.scatter [tilespmem:s6], [sflag:$0x1], $0x80, $0x38;
	[tilespmem:$0x4200] =	vst v63  }
0x192: {  	s6 =	sadd.s32 $0x2E00, s12;
	s10 =	sadd.s32 $0x5A0, s1  }
0x193: {  	[hbm4b:s10+s4] =	stream.linear.scatter [tilespmem:s6], [sflag:$0x1], $0x80, $0x38;
	[tilespmem:$0x4200] =	vst v63  }
0x194: {  	s6 =	sadd.s32 $0x3200, s12;
	s10 =	sadd.s32 $0x620, s1  }
0x195: {  	[hbm4b:s10+s4] =	stream.linear.scatter [tilespmem:s6], [sflag:$0x1], $0x80, $0x38;
	[tilespmem:$0x4200] =	vst v63  }
0x196: {  	s6 =	sadd.s32 $0x3600, s12;
	s10 =	sadd.s32 $0x6A0, s1  }
0x197: {  	[hbm4b:s10+s4] =	stream.linear.scatter [tilespmem:s6], [sflag:$0x1], $0x80, $0x38;
	[tilespmem:$0x4200] =	vst v63  }
0x198: {  	s6 =	sadd.s32 $0x3A00, s12;
	s10 =	sadd.s32 $0x720, s1  }
0x199: {  	[hbm4b:s10+s4] =	stream.linear.scatter [tilespmem:s6], [sflag:$0x1], $0x80, $0x38;
	[tilespmem:$0x4200] =	vst v63  }
0x19a: {  	s6 =	sadd.s32 $0x3E00, s12;
	s10 =	sadd.s32 $0x7A0, s1  }
0x19b: {  	[hbm4b:s10+s4] =	stream.linear.scatter [tilespmem:s6], [sflag:$0x1], $0x80, $0x38;
	[tilespmem:$0x4200] =	vst v63  }
0x19c: {  	s6 =	sadd.s32 $0x200, s2;
	s10 =	sadd.s32 $0x30, s1  }
0x19d: {  	[hbm4b:s10+s4] =	stream.linear.scatter [tilespmem:s6], [sflag:$0x1], $0x80, $0x38;
	[tilespmem:$0x4200] =	vst v63  }
0x19e: {  	s6 =	sadd.s32 $0x600, s2;
	s10 =	sadd.s32 $0xB0, s1  }
0x19f: {  	[hbm4b:s10+s4] =	stream.linear.scatter [tilespmem:s6], [sflag:$0x1], $0x80, $0x38;
	[tilespmem:$0x4200] =	vst v63  }
0x1a0: {  	s6 =	sadd.s32 $0xA00, s2;
	s10 =	sadd.s32 $0x130, s1  }
0x1a1: {  	[hbm4b:s10+s4] =	stream.linear.scatter [tilespmem:s6], [sflag:$0x1], $0x80, $0x38;
	[tilespmem:$0x4200] =	vst v63  }
0x1a2: {  	s6 =	sadd.s32 $0xE00, s2;
	s10 =	sadd.s32 $0x1B0, s1  }
0x1a3: {  	[hbm4b:s10+s4] =	stream.linear.scatter [tilespmem:s6], [sflag:$0x1], $0x80, $0x38;
	[tilespmem:$0x4200] =	vst v63  }
0x1a4: {  	s6 =	sadd.s32 $0x1200, s2;
	s10 =	sadd.s32 $0x230, s1  }
0x1a5: {  	[hbm4b:s10+s4] =	stream.linear.scatter [tilespmem:s6], [sflag:$0x1], $0x80, $0x38;
	[tilespmem:$0x4200] =	vst v63  }
0x1a6: {  	s6 =	sadd.s32 $0x1600, s2;
	s10 =	sadd.s32 $0x2B0, s1  }
0x1a7: {  	[hbm4b:s10+s4] =	stream.linear.scatter [tilespmem:s6], [sflag:$0x1], $0x80, $0x38;
	[tilespmem:$0x4200] =	vst v63  }
0x1a8: {  	s6 =	sadd.s32 $0x1A00, s2;
	s10 =	sadd.s32 $0x330, s1  }
0x1a9: {  	[hbm4b:s10+s4] =	stream.linear.scatter [tilespmem:s6], [sflag:$0x1], $0x80, $0x38;
	[tilespmem:$0x4200] =	vst v63  }
0x1aa: {  	s6 =	sadd.s32 $0x1E00, s2;
	s10 =	sadd.s32 $0x3B0, s1  }
0x1ab: {  	[hbm4b:s10+s4] =	stream.linear.scatter [tilespmem:s6], [sflag:$0x1], $0x80, $0x38;
	[tilespmem:$0x4200] =	vst v63  }
0x1ac: {  	s6 =	sadd.s32 $0x2200, s2;
	s10 =	sadd.s32 $0x430, s1  }
0x1ad: {  	[hbm4b:s10+s4] =	stream.linear.scatter [tilespmem:s6], [sflag:$0x1], $0x80, $0x38;
	[tilespmem:$0x4200] =	vst v63  }
0x1ae: {  	s6 =	sadd.s32 $0x2600, s2;
	s10 =	sadd.s32 $0x4B0, s1  }
0x1af: {  	[hbm4b:s10+s4] =	stream.linear.scatter [tilespmem:s6], [sflag:$0x1], $0x80, $0x38;
	[tilespmem:$0x4200] =	vst v63  }
0x1b0: {  	s6 =	sadd.s32 $0x2A00, s2;
	s10 =	sadd.s32 $0x530, s1  }
0x1b1: {  	[hbm4b:s10+s4] =	stream.linear.scatter [tilespmem:s6], [sflag:$0x1], $0x80, $0x38;
	[tilespmem:$0x4200] =	vst v63  }
0x1b2: {  	s6 =	sadd.s32 $0x2E00, s2;
	s10 =	sadd.s32 $0x5B0, s1  }
0x1b3: {  	[hbm4b:s10+s4] =	stream.linear.scatter [tilespmem:s6], [sflag:$0x1], $0x80, $0x38;
	[tilespmem:$0x4200] =	vst v63  }
0x1b4: {  	s6 =	sadd.s32 $0x3200, s2;
	s10 =	sadd.s32 $0x630, s1  }
0x1b5: {  	[hbm4b:s10+s4] =	stream.linear.scatter [tilespmem:s6], [sflag:$0x1], $0x80, $0x38;
	[tilespmem:$0x4200] =	vst v63  }
0x1b6: {  	s6 =	sadd.s32 $0x3600, s2;
	s10 =	sadd.s32 $0x6B0, s1  }
0x1b7: {  	[hbm4b:s10+s4] =	stream.linear.scatter [tilespmem:s6], [sflag:$0x1], $0x80, $0x38;
	[tilespmem:$0x4200] =	vst v63  }
0x1b8: {  	s6 =	sadd.s32 $0x3A00, s2;
	s10 =	sadd.s32 $0x730, s1  }
0x1b9: {  	[hbm4b:s10+s4] =	stream.linear.scatter [tilespmem:s6], [sflag:$0x1], $0x80, $0x38;
	[tilespmem:$0x4200] =	vst v63  }
.Ltmp0:
0x1ba: {  	_ = 	snop;
	(pc) =	sbr.rel @p0 .LBB2_2-.Ltmp0, $4  }
0x1bb: {  	s2 =	sadd.s32 $0x3E00, s2;
	s1 =	sadd.s32 $0x7B0, s1  }
0x1bc: {  	[hbm4b:s1+s4] =	stream.linear.scatter [tilespmem:s2], [sflag:$0x1], $0x80, $0x38;
	[tilespmem:$0x4200] =	vst v63  }
0x1bd: {  	_ =	swait.ge [sflag:s28], $0x400  }
0x1be: {  	[sflag:s28] =	ssyncset.done $0x0  }
0x1bf: {  	[sflag:s28] =	ssyncadd.s32 $0xFFFFFC00  }
0x1c0: {  	_ =	swait.ge [sflag:s28], $0x400  }
0x1c1: {  	s29 =	sadd.s32 $0x1, s29;
	s1 =	rddreg [dreg:$0x5]  }
0x1c2: {  	p0 =	sne.s32 s29, s1  }
.Ltmp1:
0x1c3: {  	_ = 	snop;
	(pc) =	sbr.rel @p0 .LBB2_1-.Ltmp1, $3  }
0x1c4: {  	_ =	sdelay $0x1  }
0x1c5: {  	[sflag:s28] =	ssyncset.done $0x0  }
0x1c6: {  	[sflag:s28] =	ssyncadd.s32 $0xFFFFFC00  }
0x1c7: {  	_ =	sfence.sel $0x180000  }
0x1c8: {  	[bflag:$0x0] =	sbarrier.arrive $0xFFFF  }
0x1c9: {  	_ =	strace $0x90000047  }
0x1ca: {  	s0 =	stileid.u32;
	[bflag:$0x2] =	sbarrier.arrive $0xFFFF  }
0x1cb: {  	p0 =	sne.s32 s0, $0x0;
	s0 =	rddreg [dreg:$0x3]  }
0x1cc: {  	s0 =	sadd.s32 @!p0 $0x100000, s0  }
0x1cd: {  	[sflag:s0] =	ssyncadd.tile.s32 @!p0 $0x1;
	_ =	shalt  }
.Lfunc_end2:
_tile_overlayer_lowered:
.L_overlay_start_2:
0x1ce: {  	(tag) =	ssettag $0x2  }
0x1cf: {  	s0 =	rddreg [dreg:$0x0];
	s2 =	stileid.u32  }
0x1d0: {  	s1 =	rddreg [dreg:$0x1];
	p0 =	sne.s32 s2, $0x0  }
0x1d1: {  	s3 =	rddreg [dreg:$0x2];
	[bflag:$0x3] =	sbarrier.arrive $0xFFFF;
	s2 =	simm.s32 @!p0 $0x1C02  }
0x1d2: {  	[timem:s3], [sflag:s2] =	dma.local @!p0 [hbm:s0], s1  }
0x1d3: {  	s0 =	simm.s32 @!p0 $0x2  }
0x1d4: {  	_ =	swait.ge @!p0 [sflag:s0], s1  }
0x1d5: {  	s1 =	ssub.s32 @!p0 $0x0, s1;
	[sflag:s0] =	ssyncset.done @!p0 $0x0  }
0x1d6: {  	[sflag:s0] =	ssyncadd.s32 @!p0 s1  }
0x1d7: {  	[bflag:$0x3] =	sbarrier.arrive $0xFFFF  }
0x1d8: {  	_ =	shalt  }

</sc_bundles>
